<compile_context>
chip_gen: v7x
topology: tpu7x:2x2x1
jax: 0.10.2.dev20260603
libtpu: 0.0.44.dev20260713+nightly
codegen_flags: <defaults>
</compile_context>

<pallas_src>
import jax
import jax.numpy as jnp
from jax.experimental import pallas as pl
from jax.experimental.pallas import tpu as pltpu

_LANES = 128


def _make_body(group, groups_per_block):
    def _blend_body(x_sref, a_ref, y_ref, e_ref, o_ref):
        eb = e_ref[...]
        yv = y_ref[...]
        rb = pl.program_id(0)
        for k in range(groups_per_block):
            sl = pl.ds(k * group, group)
            a = a_ref[sl, :]
            m = x_sref[rb * groups_per_block + k] * yv
            o_ref[sl, :] = a + m * (eb - a)
    return _blend_body


def kernel(arr, element, x_index, y_index):
    M, N, D = arr.shape
    R = M * N * D // _LANES
    group = N * D // _LANES
    gpb = min(32, M)
    rows = group * gpb
    a2 = arr.reshape(R, _LANES)
    y2 = jnp.repeat(y_index, D).reshape(group, _LANES)
    e2 = jnp.tile(element, _LANES // D).reshape(1, _LANES)

    grid_spec = pltpu.PrefetchScalarGridSpec(
        num_scalar_prefetch=1,
        grid=(R // rows,),
        in_specs=[
            pl.BlockSpec((rows, _LANES), lambda i, xs: (i, 0)),
            pl.BlockSpec((group, _LANES), lambda i, xs: (0, 0)),
            pl.BlockSpec((1, _LANES), lambda i, xs: (0, 0)),
        ],
        out_specs=pl.BlockSpec((rows, _LANES), lambda i, xs: (i, 0)),
    )
    out = pl.pallas_call(
        _make_body(group, gpb),
        grid_spec=grid_spec,
        out_shape=jax.ShapeDtypeStruct((R, _LANES), jnp.float32),
    )(x_index, a2, y2, e2)
    return out.reshape(M, N, D)

# --- scband reference (transcript-rebuilt; emitter-appended) ---
"""Pipeline reference for scband-tensor-write2-d-21844203667960 (READ-ONLY COPY).

The authoritative reference and input builder live on the scoring server;
editing this copy changes nothing except your own understanding.
"""

import jax, jax.numpy as jnp
import numpy as np

M, N, D = 4096, 4096, 8

def setup_inputs(seed: int = 0) -> dict:
    key = jax.random.key(seed)
    k1, k2, k3, k4 = jax.random.split(key, 4)
    arr = jax.random.normal(k1, (M, N, D), dtype=jnp.float32)
    element = jax.random.normal(k2, (D,), dtype=jnp.float32)
    x_index = jax.random.uniform(k3, (M,), dtype=jnp.float32)
    y_index = jax.random.uniform(k4, (N,), dtype=jnp.float32)
    return {"arr": arr, "element": element, "x_index": x_index, "y_index": y_index}

def reference(arr, element, x_index, y_index):
    arr_shape = arr.shape
    mask = jnp.outer(x_index, y_index)
    # arr is 3D: add trailing singleton dims and broadcast
    for _ in range(len(arr_shape) - 2):
        mask = mask[..., None]
    mask = jnp.broadcast_to(mask, arr_shape)
    # element is 1D, arr is 3D: reshape to [1,1,-1] and broadcast
    el = element.reshape(1, 1, -1)
    el = jnp.broadcast_to(el, (arr_shape[0], arr_shape[1], el.shape[-1]))
    result = (1.0 - mask) * arr + mask * el
    return result

if __name__ == "__main__":
    import jax
    _d = setup_inputs()
    print(jax.jit(kernel)(*tuple(_d.values())))

</pallas_src>

<mosaic_0001>
module attributes {stable_mosaic.version = 14 : i64} {
  func.func @_blend_body(%arg0: i32, %arg1: memref<4096xf32, #tpu.memory_space<smem>>, %arg2: memref<8192x128xf32, #tpu.memory_space<vmem>>, %arg3: memref<256x128xf32, #tpu.memory_space<vmem>>, %arg4: memref<1x128xf32, #tpu.memory_space<vmem>>, %arg5: memref<8192x128xf32, #tpu.memory_space<vmem>>) attributes {dimension_semantics = [#tpu.dimension_semantics<arbitrary>], iteration_bounds = array<i64: 128>, scalar_prefetch = 1 : i64, scratch_operands = 0 : i64, tpu.core_type = #tpu.core_type<tc>, window_params = [{transform_indices = @transform_0, window_bounds = array<i64: 8192, 128>}, {pipeline_mode = #tpu.pipeline_mode<synchronous>, transform_indices = @transform_1, window_bounds = array<i64: 256, 128>}, {pipeline_mode = #tpu.pipeline_mode<synchronous>, transform_indices = @transform_2, window_bounds = array<i64: 1, 128>}, {transform_indices = @transform_3, window_bounds = array<i64: 8192, 128>}]} {
    %get3A = arith.constant 0 : index
    %get3A_0 = arith.constant 0 : index
    %get3A_1 = vector.load %arg4[%get3A, %get3A_0] : memref<1x128xf32, #tpu.memory_space<vmem>>, vector<1x128xf32>
    %get3A_2 = arith.constant 0 : index
    %get3A_3 = arith.constant 0 : index
    %get3A_4 = vector.load %arg3[%get3A_2, %get3A_3] : memref<256x128xf32, #tpu.memory_space<vmem>>, vector<256x128xf32>
    %get3A_5 = arith.constant 0 : index
    %get3A_6 = arith.constant 0 : index
    %get3A_7 = vector.load %arg2[%get3A_5, %get3A_6] : memref<8192x128xf32, #tpu.memory_space<vmem>>, vector<256x128xf32>
    %mul3A = arith.constant 32 : i32
    %mul3A_8 = arith.muli %arg0, %mul3A : i32
    %add3A = arith.constant 0 : i32
    %add3A_9 = arith.addi %mul3A_8, %add3A : i32
    %get3A_10 = arith.index_cast %add3A_9 : i32 to index
    %get3A_11 = memref.load %arg1[%get3A_10] : memref<4096xf32, #tpu.memory_space<smem>>
    %mul3A_12 = vector.broadcast %get3A_11 : f32 to vector<256x128xf32>
    %mul3A_13 = arith.mulf %mul3A_12, %get3A_4 : vector<256x128xf32>
    %sub3A = vector.broadcast %get3A_1 : vector<1x128xf32> to vector<256x128xf32>
    %sub3A_14 = arith.subf %sub3A, %get3A_7 : vector<256x128xf32>
    %mul3A_15 = arith.mulf %mul3A_13, %sub3A_14 : vector<256x128xf32>
    %add3A_16 = arith.addf %get3A_7, %mul3A_15 : vector<256x128xf32>
    %swap3A = arith.constant 0 : index
    %swap3A_17 = arith.constant 0 : index
    %swap3A_18 = vector.load %arg5[%swap3A, %swap3A_17] : memref<8192x128xf32, #tpu.memory_space<vmem>>, vector<256x128xf32>
    tpu.vector_store %arg5[%swap3A, %swap3A_17], %add3A_16 {strides = array<i32>} : memref<8192x128xf32, #tpu.memory_space<vmem>>, vector<256x128xf32>,
    %get3A_19 = arith.constant 256 : index
    %get3A_20 = arith.constant 0 : index
    %get3A_21 = vector.load %arg2[%get3A_19, %get3A_20] : memref<8192x128xf32, #tpu.memory_space<vmem>>, vector<256x128xf32>
    %mul3A_22 = arith.constant 32 : i32
    %mul3A_23 = arith.muli %arg0, %mul3A_22 : i32
    %add3A_24 = arith.constant 1 : i32
    %add3A_25 = arith.addi %mul3A_23, %add3A_24 : i32
    %get3A_26 = arith.index_cast %add3A_25 : i32 to index
    %get3A_27 = memref.load %arg1[%get3A_26] : memref<4096xf32, #tpu.memory_space<smem>>
    %mul3A_28 = vector.broadcast %get3A_27 : f32 to vector<256x128xf32>
    %mul3A_29 = arith.mulf %mul3A_28, %get3A_4 : vector<256x128xf32>
    %sub3A_30 = vector.broadcast %get3A_1 : vector<1x128xf32> to vector<256x128xf32>
    %sub3A_31 = arith.subf %sub3A_30, %get3A_21 : vector<256x128xf32>
    %mul3A_32 = arith.mulf %mul3A_29, %sub3A_31 : vector<256x128xf32>
    %add3A_33 = arith.addf %get3A_21, %mul3A_32 : vector<256x128xf32>
    %swap3A_34 = arith.constant 256 : index
    %swap3A_35 = arith.constant 0 : index
    %swap3A_36 = vector.load %arg5[%swap3A_34, %swap3A_35] : memref<8192x128xf32, #tpu.memory_space<vmem>>, vector<256x128xf32>
    tpu.vector_store %arg5[%swap3A_34, %swap3A_35], %add3A_33 {strides = array<i32>} : memref<8192x128xf32, #tpu.memory_space<vmem>>, vector<256x128xf32>,
    %get3A_37 = arith.constant 512 : index
    %get3A_38 = arith.constant 0 : index
    %get3A_39 = vector.load %arg2[%get3A_37, %get3A_38] : memref<8192x128xf32, #tpu.memory_space<vmem>>, vector<256x128xf32>
    %mul3A_40 = arith.constant 32 : i32
    %mul3A_41 = arith.muli %arg0, %mul3A_40 : i32
    %add3A_42 = arith.constant 2 : i32
    %add3A_43 = arith.addi %mul3A_41, %add3A_42 : i32
    %get3A_44 = arith.index_cast %add3A_43 : i32 to index
    %get3A_45 = memref.load %arg1[%get3A_44] : memref<4096xf32, #tpu.memory_space<smem>>
    %mul3A_46 = vector.broadcast %get3A_45 : f32 to vector<256x128xf32>
    %mul3A_47 = arith.mulf %mul3A_46, %get3A_4 : vector<256x128xf32>
    %sub3A_48 = vector.broadcast %get3A_1 : vector<1x128xf32> to vector<256x128xf32>
    %sub3A_49 = arith.subf %sub3A_48, %get3A_39 : vector<256x128xf32>
    %mul3A_50 = arith.mulf %mul3A_47, %sub3A_49 : vector<256x128xf32>
    %add3A_51 = arith.addf %get3A_39, %mul3A_50 : vector<256x128xf32>
    %swap3A_52 = arith.constant 512 : index
    %swap3A_53 = arith.constant 0 : index
    %swap3A_54 = vector.load %arg5[%swap3A_52, %swap3A_53] : memref<8192x128xf32, #tpu.memory_space<vmem>>, vector<256x128xf32>
    tpu.vector_store %arg5[%swap3A_52, %swap3A_53], %add3A_51 {strides = array<i32>} : memref<8192x128xf32, #tpu.memory_space<vmem>>, vector<256x128xf32>,
    %get3A_55 = arith.constant 768 : index
    %get3A_56 = arith.constant 0 : index
    %get3A_57 = vector.load %arg2[%get3A_55, %get3A_56] : memref<8192x128xf32, #tpu.memory_space<vmem>>, vector<256x128xf32>
    %mul3A_58 = arith.constant 32 : i32
    %mul3A_59 = arith.muli %arg0, %mul3A_58 : i32
    %add3A_60 = arith.constant 3 : i32
    %add3A_61 = arith.addi %mul3A_59, %add3A_60 : i32
    %get3A_62 = arith.index_cast %add3A_61 : i32 to index
    %get3A_63 = memref.load %arg1[%get3A_62] : memref<4096xf32, #tpu.memory_space<smem>>
    %mul3A_64 = vector.broadcast %get3A_63 : f32 to vector<256x128xf32>
    %mul3A_65 = arith.mulf %mul3A_64, %get3A_4 : vector<256x128xf32>
    %sub3A_66 = vector.broadcast %get3A_1 : vector<1x128xf32> to vector<256x128xf32>
    %sub3A_67 = arith.subf %sub3A_66, %get3A_57 : vector<256x128xf32>
    %mul3A_68 = arith.mulf %mul3A_65, %sub3A_67 : vector<256x128xf32>
    %add3A_69 = arith.addf %get3A_57, %mul3A_68 : vector<256x128xf32>
    %swap3A_70 = arith.constant 768 : index
    %swap3A_71 = arith.constant 0 : index
    %swap3A_72 = vector.load %arg5[%swap3A_70, %swap3A_71] : memref<8192x128xf32, #tpu.memory_space<vmem>>, vector<256x128xf32>
    tpu.vector_store %arg5[%swap3A_70, %swap3A_71], %add3A_69 {strides = array<i32>} : memref<8192x128xf32, #tpu.memory_space<vmem>>, vector<256x128xf32>,
    %get3A_73 = arith.constant 1024 : index
    %get3A_74 = arith.constant 0 : index
    %get3A_75 = vector.load %arg2[%get3A_73, %get3A_74] : memref<8192x128xf32, #tpu.memory_space<vmem>>, vector<256x128xf32>
    %mul3A_76 = arith.constant 32 : i32
    %mul3A_77 = arith.muli %arg0, %mul3A_76 : i32
    %add3A_78 = arith.constant 4 : i32
    %add3A_79 = arith.addi %mul3A_77, %add3A_78 : i32
    %get3A_80 = arith.index_cast %add3A_79 : i32 to index
    %get3A_81 = memref.load %arg1[%get3A_80] : memref<4096xf32, #tpu.memory_space<smem>>
    %mul3A_82 = vector.broadcast %get3A_81 : f32 to vector<256x128xf32>
    %mul3A_83 = arith.mulf %mul3A_82, %get3A_4 : vector<256x128xf32>
    %sub3A_84 = vector.broadcast %get3A_1 : vector<1x128xf32> to vector<256x128xf32>
    %sub3A_85 = arith.subf %sub3A_84, %get3A_75 : vector<256x128xf32>
    %mul3A_86 = arith.mulf %mul3A_83, %sub3A_85 : vector<256x128xf32>
    %add3A_87 = arith.addf %get3A_75, %mul3A_86 : vector<256x128xf32>
    %swap3A_88 = arith.constant 1024 : index
    %swap3A_89 = arith.constant 0 : index
    %swap3A_90 = vector.load %arg5[%swap3A_88, %swap3A_89] : memref<8192x128xf32, #tpu.memory_space<vmem>>, vector<256x128xf32>
    tpu.vector_store %arg5[%swap3A_88, %swap3A_89], %add3A_87 {strides = array<i32>} : memref<8192x128xf32, #tpu.memory_space<vmem>>, vector<256x128xf32>,
    %get3A_91 = arith.constant 1280 : index
    %get3A_92 = arith.constant 0 : index
    %get3A_93 = vector.load %arg2[%get3A_91, %get3A_92] : memref<8192x128xf32, #tpu.memory_space<vmem>>, vector<256x128xf32>
    %mul3A_94 = arith.constant 32 : i32
    %mul3A_95 = arith.muli %arg0, %mul3A_94 : i32
    %add3A_96 = arith.constant 5 : i32
    %add3A_97 = arith.addi %mul3A_95, %add3A_96 : i32
    %get3A_98 = arith.index_cast %add3A_97 : i32 to index
    %get3A_99 = memref.load %arg1[%get3A_98] : memref<4096xf32, #tpu.memory_space<smem>>
    %mul3A_100 = vector.broadcast %get3A_99 : f32 to vector<256x128xf32>
    %mul3A_101 = arith.mulf %mul3A_100, %get3A_4 : vector<256x128xf32>
    %sub3A_102 = vector.broadcast %get3A_1 : vector<1x128xf32> to vector<256x128xf32>
    %sub3A_103 = arith.subf %sub3A_102, %get3A_93 : vector<256x128xf32>
    %mul3A_104 = arith.mulf %mul3A_101, %sub3A_103 : vector<256x128xf32>
    %add3A_105 = arith.addf %get3A_93, %mul3A_104 : vector<256x128xf32>
    %swap3A_106 = arith.constant 1280 : index
    %swap3A_107 = arith.constant 0 : index
    %swap3A_108 = vector.load %arg5[%swap3A_106, %swap3A_107] : memref<8192x128xf32, #tpu.memory_space<vmem>>, vector<256x128xf32>
    tpu.vector_store %arg5[%swap3A_106, %swap3A_107], %add3A_105 {strides = array<i32>} : memref<8192x128xf32, #tpu.memory_space<vmem>>, vector<256x128xf32>,
    %get3A_109 = arith.constant 1536 : index
    %get3A_110 = arith.constant 0 : index
    %get3A_111 = vector.load %arg2[%get3A_109, %get3A_110] : memref<8192x128xf32, #tpu.memory_space<vmem>>, vector<256x128xf32>
    %mul3A_112 = arith.constant 32 : i32
    %mul3A_113 = arith.muli %arg0, %mul3A_112 : i32
    %add3A_114 = arith.constant 6 : i32
    %add3A_115 = arith.addi %mul3A_113, %add3A_114 : i32
    %get3A_116 = arith.index_cast %add3A_115 : i32 to index
    %get3A_117 = memref.load %arg1[%get3A_116] : memref<4096xf32, #tpu.memory_space<smem>>
    %mul3A_118 = vector.broadcast %get3A_117 : f32 to vector<256x128xf32>
    %mul3A_119 = arith.mulf %mul3A_118, %get3A_4 : vector<256x128xf32>
    %sub3A_120 = vector.broadcast %get3A_1 : vector<1x128xf32> to vector<256x128xf32>
    %sub3A_121 = arith.subf %sub3A_120, %get3A_111 : vector<256x128xf32>
    %mul3A_122 = arith.mulf %mul3A_119, %sub3A_121 : vector<256x128xf32>
    %add3A_123 = arith.addf %get3A_111, %mul3A_122 : vector<256x128xf32>
    %swap3A_124 = arith.constant 1536 : index
    %swap3A_125 = arith.constant 0 : index
    %swap3A_126 = vector.load %arg5[%swap3A_124, %swap3A_125] : memref<8192x128xf32, #tpu.memory_space<vmem>>, vector<256x128xf32>
    tpu.vector_store %arg5[%swap3A_124, %swap3A_125], %add3A_123 {strides = array<i32>} : memref<8192x128xf32, #tpu.memory_space<vmem>>, vector<256x128xf32>,
    %get3A_127 = arith.constant 1792 : index
    %get3A_128 = arith.constant 0 : index
    %get3A_129 = vector.load %arg2[%get3A_127, %get3A_128] : memref<8192x128xf32, #tpu.memory_space<vmem>>, vector<256x128xf32>
    %mul3A_130 = arith.constant 32 : i32
    %mul3A_131 = arith.muli %arg0, %mul3A_130 : i32
    %add3A_132 = arith.constant 7 : i32
    %add3A_133 = arith.addi %mul3A_131, %add3A_132 : i32
    %get3A_134 = arith.index_cast %add3A_133 : i32 to index
    %get3A_135 = memref.load %arg1[%get3A_134] : memref<4096xf32, #tpu.memory_space<smem>>
    %mul3A_136 = vector.broadcast %get3A_135 : f32 to vector<256x128xf32>
    %mul3A_137 = arith.mulf %mul3A_136, %get3A_4 : vector<256x128xf32>
    %sub3A_138 = vector.broadcast %get3A_1 : vector<1x128xf32> to vector<256x128xf32>
    %sub3A_139 = arith.subf %sub3A_138, %get3A_129 : vector<256x128xf32>
    %mul3A_140 = arith.mulf %mul3A_137, %sub3A_139 : vector<256x128xf32>
    %add3A_141 = arith.addf %get3A_129, %mul3A_140 : vector<256x128xf32>
    %swap3A_142 = arith.constant 1792 : index
    %swap3A_143 = arith.constant 0 : index
    %swap3A_144 = vector.load %arg5[%swap3A_142, %swap3A_143] : memref<8192x128xf32, #tpu.memory_space<vmem>>, vector<256x128xf32>
    tpu.vector_store %arg5[%swap3A_142, %swap3A_143], %add3A_141 {strides = array<i32>} : memref<8192x128xf32, #tpu.memory_space<vmem>>, vector<256x128xf32>,
    %get3A_145 = arith.constant 2048 : index
    %get3A_146 = arith.constant 0 : index
    %get3A_147 = vector.load %arg2[%get3A_145, %get3A_146] : memref<8192x128xf32, #tpu.memory_space<vmem>>, vector<256x128xf32>
    %mul3A_148 = arith.constant 32 : i32
    %mul3A_149 = arith.muli %arg0, %mul3A_148 : i32
    %add3A_150 = arith.constant 8 : i32
    %add3A_151 = arith.addi %mul3A_149, %add3A_150 : i32
    %get3A_152 = arith.index_cast %add3A_151 : i32 to index
    %get3A_153 = memref.load %arg1[%get3A_152] : memref<4096xf32, #tpu.memory_space<smem>>
    %mul3A_154 = vector.broadcast %get3A_153 : f32 to vector<256x128xf32>
    %mul3A_155 = arith.mulf %mul3A_154, %get3A_4 : vector<256x128xf32>
    %sub3A_156 = vector.broadcast %get3A_1 : vector<1x128xf32> to vector<256x128xf32>
    %sub3A_157 = arith.subf %sub3A_156, %get3A_147 : vector<256x128xf32>
    %mul3A_158 = arith.mulf %mul3A_155, %sub3A_157 : vector<256x128xf32>
    %add3A_159 = arith.addf %get3A_147, %mul3A_158 : vector<256x128xf32>
    %swap3A_160 = arith.constant 2048 : index
    %swap3A_161 = arith.constant 0 : index
    %swap3A_162 = vector.load %arg5[%swap3A_160, %swap3A_161] : memref<8192x128xf32, #tpu.memory_space<vmem>>, vector<256x128xf32>
    tpu.vector_store %arg5[%swap3A_160, %swap3A_161], %add3A_159 {strides = array<i32>} : memref<8192x128xf32, #tpu.memory_space<vmem>>, vector<256x128xf32>,
    %get3A_163 = arith.constant 2304 : index
    %get3A_164 = arith.constant 0 : index
    %get3A_165 = vector.load %arg2[%get3A_163, %get3A_164] : memref<8192x128xf32, #tpu.memory_space<vmem>>, vector<256x128xf32>
    %mul3A_166 = arith.constant 32 : i32
    %mul3A_167 = arith.muli %arg0, %mul3A_166 : i32
    %add3A_168 = arith.constant 9 : i32
    %add3A_169 = arith.addi %mul3A_167, %add3A_168 : i32
    %get3A_170 = arith.index_cast %add3A_169 : i32 to index
    %get3A_171 = memref.load %arg1[%get3A_170] : memref<4096xf32, #tpu.memory_space<smem>>
    %mul3A_172 = vector.broadcast %get3A_171 : f32 to vector<256x128xf32>
    %mul3A_173 = arith.mulf %mul3A_172, %get3A_4 : vector<256x128xf32>
    %sub3A_174 = vector.broadcast %get3A_1 : vector<1x128xf32> to vector<256x128xf32>
    %sub3A_175 = arith.subf %sub3A_174, %get3A_165 : vector<256x128xf32>
    %mul3A_176 = arith.mulf %mul3A_173, %sub3A_175 : vector<256x128xf32>
    %add3A_177 = arith.addf %get3A_165, %mul3A_176 : vector<256x128xf32>
    %swap3A_178 = arith.constant 2304 : index
    %swap3A_179 = arith.constant 0 : index
    %swap3A_180 = vector.load %arg5[%swap3A_178, %swap3A_179] : memref<8192x128xf32, #tpu.memory_space<vmem>>, vector<256x128xf32>
    tpu.vector_store %arg5[%swap3A_178, %swap3A_179], %add3A_177 {strides = array<i32>} : memref<8192x128xf32, #tpu.memory_space<vmem>>, vector<256x128xf32>,
    %get3A_181 = arith.constant 2560 : index
    %get3A_182 = arith.constant 0 : index
    %get3A_183 = vector.load %arg2[%get3A_181, %get3A_182] : memref<8192x128xf32, #tpu.memory_space<vmem>>, vector<256x128xf32>
    %mul3A_184 = arith.constant 32 : i32
    %mul3A_185 = arith.muli %arg0, %mul3A_184 : i32
    %add3A_186 = arith.constant 10 : i32
    %add3A_187 = arith.addi %mul3A_185, %add3A_186 : i32
    %get3A_188 = arith.index_cast %add3A_187 : i32 to index
    %get3A_189 = memref.load %arg1[%get3A_188] : memref<4096xf32, #tpu.memory_space<smem>>
    %mul3A_190 = vector.broadcast %get3A_189 : f32 to vector<256x128xf32>
    %mul3A_191 = arith.mulf %mul3A_190, %get3A_4 : vector<256x128xf32>
    %sub3A_192 = vector.broadcast %get3A_1 : vector<1x128xf32> to vector<256x128xf32>
    %sub3A_193 = arith.subf %sub3A_192, %get3A_183 : vector<256x128xf32>
    %mul3A_194 = arith.mulf %mul3A_191, %sub3A_193 : vector<256x128xf32>
    %add3A_195 = arith.addf %get3A_183, %mul3A_194 : vector<256x128xf32>
    %swap3A_196 = arith.constant 2560 : index
    %swap3A_197 = arith.constant 0 : index
    %swap3A_198 = vector.load %arg5[%swap3A_196, %swap3A_197] : memref<8192x128xf32, #tpu.memory_space<vmem>>, vector<256x128xf32>
    tpu.vector_store %arg5[%swap3A_196, %swap3A_197], %add3A_195 {strides = array<i32>} : memref<8192x128xf32, #tpu.memory_space<vmem>>, vector<256x128xf32>,
    %get3A_199 = arith.constant 2816 : index
    %get3A_200 = arith.constant 0 : index
    %get3A_201 = vector.load %arg2[%get3A_199, %get3A_200] : memref<8192x128xf32, #tpu.memory_space<vmem>>, vector<256x128xf32>
    %mul3A_202 = arith.constant 32 : i32
    %mul3A_203 = arith.muli %arg0, %mul3A_202 : i32
    %add3A_204 = arith.constant 11 : i32
    %add3A_205 = arith.addi %mul3A_203, %add3A_204 : i32
    %get3A_206 = arith.index_cast %add3A_205 : i32 to index
    %get3A_207 = memref.load %arg1[%get3A_206] : memref<4096xf32, #tpu.memory_space<smem>>
    %mul3A_208 = vector.broadcast %get3A_207 : f32 to vector<256x128xf32>
    %mul3A_209 = arith.mulf %mul3A_208, %get3A_4 : vector<256x128xf32>
    %sub3A_210 = vector.broadcast %get3A_1 : vector<1x128xf32> to vector<256x128xf32>
    %sub3A_211 = arith.subf %sub3A_210, %get3A_201 : vector<256x128xf32>
    %mul3A_212 = arith.mulf %mul3A_209, %sub3A_211 : vector<256x128xf32>
    %add3A_213 = arith.addf %get3A_201, %mul3A_212 : vector<256x128xf32>
    %swap3A_214 = arith.constant 2816 : index
    %swap3A_215 = arith.constant 0 : index
    %swap3A_216 = vector.load %arg5[%swap3A_214, %swap3A_215] : memref<8192x128xf32, #tpu.memory_space<vmem>>, vector<256x128xf32>
    tpu.vector_store %arg5[%swap3A_214, %swap3A_215], %add3A_213 {strides = array<i32>} : memref<8192x128xf32, #tpu.memory_space<vmem>>, vector<256x128xf32>,
    %get3A_217 = arith.constant 3072 : index
    %get3A_218 = arith.constant 0 : index
    %get3A_219 = vector.load %arg2[%get3A_217, %get3A_218] : memref<8192x128xf32, #tpu.memory_space<vmem>>, vector<256x128xf32>
    %mul3A_220 = arith.constant 32 : i32
    %mul3A_221 = arith.muli %arg0, %mul3A_220 : i32
    %add3A_222 = arith.constant 12 : i32
    %add3A_223 = arith.addi %mul3A_221, %add3A_222 : i32
    %get3A_224 = arith.index_cast %add3A_223 : i32 to index
    %get3A_225 = memref.load %arg1[%get3A_224] : memref<4096xf32, #tpu.memory_space<smem>>
    %mul3A_226 = vector.broadcast %get3A_225 : f32 to vector<256x128xf32>
    %mul3A_227 = arith.mulf %mul3A_226, %get3A_4 : vector<256x128xf32>
    %sub3A_228 = vector.broadcast %get3A_1 : vector<1x128xf32> to vector<256x128xf32>
    %sub3A_229 = arith.subf %sub3A_228, %get3A_219 : vector<256x128xf32>
    %mul3A_230 = arith.mulf %mul3A_227, %sub3A_229 : vector<256x128xf32>
    %add3A_231 = arith.addf %get3A_219, %mul3A_230 : vector<256x128xf32>
    %swap3A_232 = arith.constant 3072 : index
    %swap3A_233 = arith.constant 0 : index
    %swap3A_234 = vector.load %arg5[%swap3A_232, %swap3A_233] : memref<8192x128xf32, #tpu.memory_space<vmem>>, vector<256x128xf32>
    tpu.vector_store %arg5[%swap3A_232, %swap3A_233], %add3A_231 {strides = array<i32>} : memref<8192x128xf32, #tpu.memory_space<vmem>>, vector<256x128xf32>,
    %get3A_235 = arith.constant 3328 : index
    %get3A_236 = arith.constant 0 : index
    %get3A_237 = vector.load %arg2[%get3A_235, %get3A_236] : memref<8192x128xf32, #tpu.memory_space<vmem>>, vector<256x128xf32>
    %mul3A_238 = arith.constant 32 : i32
    %mul3A_239 = arith.muli %arg0, %mul3A_238 : i32
    %add3A_240 = arith.constant 13 : i32
    %add3A_241 = arith.addi %mul3A_239, %add3A_240 : i32
    %get3A_242 = arith.index_cast %add3A_241 : i32 to index
    %get3A_243 = memref.load %arg1[%get3A_242] : memref<4096xf32, #tpu.memory_space<smem>>
    %mul3A_244 = vector.broadcast %get3A_243 : f32 to vector<256x128xf32>
    %mul3A_245 = arith.mulf %mul3A_244, %get3A_4 : vector<256x128xf32>
    %sub3A_246 = vector.broadcast %get3A_1 : vector<1x128xf32> to vector<256x128xf32>
    %sub3A_247 = arith.subf %sub3A_246, %get3A_237 : vector<256x128xf32>
    %mul3A_248 = arith.mulf %mul3A_245, %sub3A_247 : vector<256x128xf32>
    %add3A_249 = arith.addf %get3A_237, %mul3A_248 : vector<256x128xf32>
    %swap3A_250 = arith.constant 3328 : index
    %swap3A_251 = arith.constant 0 : index
    %swap3A_252 = vector.load %arg5[%swap3A_250, %swap3A_251] : memref<8192x128xf32, #tpu.memory_space<vmem>>, vector<256x128xf32>
    tpu.vector_store %arg5[%swap3A_250, %swap3A_251], %add3A_249 {strides = array<i32>} : memref<8192x128xf32, #tpu.memory_space<vmem>>, vector<256x128xf32>,
    %get3A_253 = arith.constant 3584 : index
    %get3A_254 = arith.constant 0 : index
    %get3A_255 = vector.load %arg2[%get3A_253, %get3A_254] : memref<8192x128xf32, #tpu.memory_space<vmem>>, vector<256x128xf32>
    %mul3A_256 = arith.constant 32 : i32
    %mul3A_257 = arith.muli %arg0, %mul3A_256 : i32
    %add3A_258 = arith.constant 14 : i32
    %add3A_259 = arith.addi %mul3A_257, %add3A_258 : i32
    %get3A_260 = arith.index_cast %add3A_259 : i32 to index
    %get3A_261 = memref.load %arg1[%get3A_260] : memref<4096xf32, #tpu.memory_space<smem>>
    %mul3A_262 = vector.broadcast %get3A_261 : f32 to vector<256x128xf32>
    %mul3A_263 = arith.mulf %mul3A_262, %get3A_4 : vector<256x128xf32>
    %sub3A_264 = vector.broadcast %get3A_1 : vector<1x128xf32> to vector<256x128xf32>
    %sub3A_265 = arith.subf %sub3A_264, %get3A_255 : vector<256x128xf32>
    %mul3A_266 = arith.mulf %mul3A_263, %sub3A_265 : vector<256x128xf32>
    %add3A_267 = arith.addf %get3A_255, %mul3A_266 : vector<256x128xf32>
    %swap3A_268 = arith.constant 3584 : index
    %swap3A_269 = arith.constant 0 : index
    %swap3A_270 = vector.load %arg5[%swap3A_268, %swap3A_269] : memref<8192x128xf32, #tpu.memory_space<vmem>>, vector<256x128xf32>
    tpu.vector_store %arg5[%swap3A_268, %swap3A_269], %add3A_267 {strides = array<i32>} : memref<8192x128xf32, #tpu.memory_space<vmem>>, vector<256x128xf32>,
    %get3A_271 = arith.constant 3840 : index
    %get3A_272 = arith.constant 0 : index
    %get3A_273 = vector.load %arg2[%get3A_271, %get3A_272] : memref<8192x128xf32, #tpu.memory_space<vmem>>, vector<256x128xf32>
    %mul3A_274 = arith.constant 32 : i32
    %mul3A_275 = arith.muli %arg0, %mul3A_274 : i32
    %add3A_276 = arith.constant 15 : i32
    %add3A_277 = arith.addi %mul3A_275, %add3A_276 : i32
    %get3A_278 = arith.index_cast %add3A_277 : i32 to index
    %get3A_279 = memref.load %arg1[%get3A_278] : memref<4096xf32, #tpu.memory_space<smem>>
    %mul3A_280 = vector.broadcast %get3A_279 : f32 to vector<256x128xf32>
    %mul3A_281 = arith.mulf %mul3A_280, %get3A_4 : vector<256x128xf32>
    %sub3A_282 = vector.broadcast %get3A_1 : vector<1x128xf32> to vector<256x128xf32>
    %sub3A_283 = arith.subf %sub3A_282, %get3A_273 : vector<256x128xf32>
    %mul3A_284 = arith.mulf %mul3A_281, %sub3A_283 : vector<256x128xf32>
    %add3A_285 = arith.addf %get3A_273, %mul3A_284 : vector<256x128xf32>
    %swap3A_286 = arith.constant 3840 : index
    %swap3A_287 = arith.constant 0 : index
    %swap3A_288 = vector.load %arg5[%swap3A_286, %swap3A_287] : memref<8192x128xf32, #tpu.memory_space<vmem>>, vector<256x128xf32>
    tpu.vector_store %arg5[%swap3A_286, %swap3A_287], %add3A_285 {strides = array<i32>} : memref<8192x128xf32, #tpu.memory_space<vmem>>, vector<256x128xf32>,
    %get3A_289 = arith.constant 4096 : index
    %get3A_290 = arith.constant 0 : index
    %get3A_291 = vector.load %arg2[%get3A_289, %get3A_290] : memref<8192x128xf32, #tpu.memory_space<vmem>>, vector<256x128xf32>
    %mul3A_292 = arith.constant 32 : i32
    %mul3A_293 = arith.muli %arg0, %mul3A_292 : i32
    %add3A_294 = arith.constant 16 : i32
    %add3A_295 = arith.addi %mul3A_293, %add3A_294 : i32
    %get3A_296 = arith.index_cast %add3A_295 : i32 to index
    %get3A_297 = memref.load %arg1[%get3A_296] : memref<4096xf32, #tpu.memory_space<smem>>
    %mul3A_298 = vector.broadcast %get3A_297 : f32 to vector<256x128xf32>
    %mul3A_299 = arith.mulf %mul3A_298, %get3A_4 : vector<256x128xf32>
    %sub3A_300 = vector.broadcast %get3A_1 : vector<1x128xf32> to vector<256x128xf32>
    %sub3A_301 = arith.subf %sub3A_300, %get3A_291 : vector<256x128xf32>
    %mul3A_302 = arith.mulf %mul3A_299, %sub3A_301 : vector<256x128xf32>
    %add3A_303 = arith.addf %get3A_291, %mul3A_302 : vector<256x128xf32>
    %swap3A_304 = arith.constant 4096 : index
    %swap3A_305 = arith.constant 0 : index
    %swap3A_306 = vector.load %arg5[%swap3A_304, %swap3A_305] : memref<8192x128xf32, #tpu.memory_space<vmem>>, vector<256x128xf32>
    tpu.vector_store %arg5[%swap3A_304, %swap3A_305], %add3A_303 {strides = array<i32>} : memref<8192x128xf32, #tpu.memory_space<vmem>>, vector<256x128xf32>,
    %get3A_307 = arith.constant 4352 : index
    %get3A_308 = arith.constant 0 : index
    %get3A_309 = vector.load %arg2[%get3A_307, %get3A_308] : memref<8192x128xf32, #tpu.memory_space<vmem>>, vector<256x128xf32>
    %mul3A_310 = arith.constant 32 : i32
    %mul3A_311 = arith.muli %arg0, %mul3A_310 : i32
    %add3A_312 = arith.constant 17 : i32
    %add3A_313 = arith.addi %mul3A_311, %add3A_312 : i32
    %get3A_314 = arith.index_cast %add3A_313 : i32 to index
    %get3A_315 = memref.load %arg1[%get3A_314] : memref<4096xf32, #tpu.memory_space<smem>>
    %mul3A_316 = vector.broadcast %get3A_315 : f32 to vector<256x128xf32>
    %mul3A_317 = arith.mulf %mul3A_316, %get3A_4 : vector<256x128xf32>
    %sub3A_318 = vector.broadcast %get3A_1 : vector<1x128xf32> to vector<256x128xf32>
    %sub3A_319 = arith.subf %sub3A_318, %get3A_309 : vector<256x128xf32>
    %mul3A_320 = arith.mulf %mul3A_317, %sub3A_319 : vector<256x128xf32>
    %add3A_321 = arith.addf %get3A_309, %mul3A_320 : vector<256x128xf32>
    %swap3A_322 = arith.constant 4352 : index
    %swap3A_323 = arith.constant 0 : index
    %swap3A_324 = vector.load %arg5[%swap3A_322, %swap3A_323] : memref<8192x128xf32, #tpu.memory_space<vmem>>, vector<256x128xf32>
    tpu.vector_store %arg5[%swap3A_322, %swap3A_323], %add3A_321 {strides = array<i32>} : memref<8192x128xf32, #tpu.memory_space<vmem>>, vector<256x128xf32>,
    %get3A_325 = arith.constant 4608 : index
    %get3A_326 = arith.constant 0 : index
    %get3A_327 = vector.load %arg2[%get3A_325, %get3A_326] : memref<8192x128xf32, #tpu.memory_space<vmem>>, vector<256x128xf32>
    %mul3A_328 = arith.constant 32 : i32
    %mul3A_329 = arith.muli %arg0, %mul3A_328 : i32
    %add3A_330 = arith.constant 18 : i32
    %add3A_331 = arith.addi %mul3A_329, %add3A_330 : i32
    %get3A_332 = arith.index_cast %add3A_331 : i32 to index
    %get3A_333 = memref.load %arg1[%get3A_332] : memref<4096xf32, #tpu.memory_space<smem>>
    %mul3A_334 = vector.broadcast %get3A_333 : f32 to vector<256x128xf32>
    %mul3A_335 = arith.mulf %mul3A_334, %get3A_4 : vector<256x128xf32>
    %sub3A_336 = vector.broadcast %get3A_1 : vector<1x128xf32> to vector<256x128xf32>
    %sub3A_337 = arith.subf %sub3A_336, %get3A_327 : vector<256x128xf32>
    %mul3A_338 = arith.mulf %mul3A_335, %sub3A_337 : vector<256x128xf32>
    %add3A_339 = arith.addf %get3A_327, %mul3A_338 : vector<256x128xf32>
    %swap3A_340 = arith.constant 4608 : index
    %swap3A_341 = arith.constant 0 : index
    %swap3A_342 = vector.load %arg5[%swap3A_340, %swap3A_341] : memref<8192x128xf32, #tpu.memory_space<vmem>>, vector<256x128xf32>
    tpu.vector_store %arg5[%swap3A_340, %swap3A_341], %add3A_339 {strides = array<i32>} : memref<8192x128xf32, #tpu.memory_space<vmem>>, vector<256x128xf32>,
    %get3A_343 = arith.constant 4864 : index
    %get3A_344 = arith.constant 0 : index
    %get3A_345 = vector.load %arg2[%get3A_343, %get3A_344] : memref<8192x128xf32, #tpu.memory_space<vmem>>, vector<256x128xf32>
    %mul3A_346 = arith.constant 32 : i32
    %mul3A_347 = arith.muli %arg0, %mul3A_346 : i32
    %add3A_348 = arith.constant 19 : i32
    %add3A_349 = arith.addi %mul3A_347, %add3A_348 : i32
    %get3A_350 = arith.index_cast %add3A_349 : i32 to index
    %get3A_351 = memref.load %arg1[%get3A_350] : memref<4096xf32, #tpu.memory_space<smem>>
    %mul3A_352 = vector.broadcast %get3A_351 : f32 to vector<256x128xf32>
    %mul3A_353 = arith.mulf %mul3A_352, %get3A_4 : vector<256x128xf32>
    %sub3A_354 = vector.broadcast %get3A_1 : vector<1x128xf32> to vector<256x128xf32>
    %sub3A_355 = arith.subf %sub3A_354, %get3A_345 : vector<256x128xf32>
    %mul3A_356 = arith.mulf %mul3A_353, %sub3A_355 : vector<256x128xf32>
    %add3A_357 = arith.addf %get3A_345, %mul3A_356 : vector<256x128xf32>
    %swap3A_358 = arith.constant 4864 : index
    %swap3A_359 = arith.constant 0 : index
    %swap3A_360 = vector.load %arg5[%swap3A_358, %swap3A_359] : memref<8192x128xf32, #tpu.memory_space<vmem>>, vector<256x128xf32>
    tpu.vector_store %arg5[%swap3A_358, %swap3A_359], %add3A_357 {strides = array<i32>} : memref<8192x128xf32, #tpu.memory_space<vmem>>, vector<256x128xf32>,
    %get3A_361 = arith.constant 5120 : index
    %get3A_362 = arith.constant 0 : index
    %get3A_363 = vector.load %arg2[%get3A_361, %get3A_362] : memref<8192x128xf32, #tpu.memory_space<vmem>>, vector<256x128xf32>
    %mul3A_364 = arith.constant 32 : i32
    %mul3A_365 = arith.muli %arg0, %mul3A_364 : i32
    %add3A_366 = arith.constant 20 : i32
    %add3A_367 = arith.addi %mul3A_365, %add3A_366 : i32
    %get3A_368 = arith.index_cast %add3A_367 : i32 to index
    %get3A_369 = memref.load %arg1[%get3A_368] : memref<4096xf32, #tpu.memory_space<smem>>
    %mul3A_370 = vector.broadcast %get3A_369 : f32 to vector<256x128xf32>
    %mul3A_371 = arith.mulf %mul3A_370, %get3A_4 : vector<256x128xf32>
    %sub3A_372 = vector.broadcast %get3A_1 : vector<1x128xf32> to vector<256x128xf32>
    %sub3A_373 = arith.subf %sub3A_372, %get3A_363 : vector<256x128xf32>
    %mul3A_374 = arith.mulf %mul3A_371, %sub3A_373 : vector<256x128xf32>
    %add3A_375 = arith.addf %get3A_363, %mul3A_374 : vector<256x128xf32>
    %swap3A_376 = arith.constant 5120 : index
    %swap3A_377 = arith.constant 0 : index
    %swap3A_378 = vector.load %arg5[%swap3A_376, %swap3A_377] : memref<8192x128xf32, #tpu.memory_space<vmem>>, vector<256x128xf32>
    tpu.vector_store %arg5[%swap3A_376, %swap3A_377], %add3A_375 {strides = array<i32>} : memref<8192x128xf32, #tpu.memory_space<vmem>>, vector<256x128xf32>,
    %get3A_379 = arith.constant 5376 : index
    %get3A_380 = arith.constant 0 : index
    %get3A_381 = vector.load %arg2[%get3A_379, %get3A_380] : memref<8192x128xf32, #tpu.memory_space<vmem>>, vector<256x128xf32>
    %mul3A_382 = arith.constant 32 : i32
    %mul3A_383 = arith.muli %arg0, %mul3A_382 : i32
    %add3A_384 = arith.constant 21 : i32
    %add3A_385 = arith.addi %mul3A_383, %add3A_384 : i32
    %get3A_386 = arith.index_cast %add3A_385 : i32 to index
    %get3A_387 = memref.load %arg1[%get3A_386] : memref<4096xf32, #tpu.memory_space<smem>>
    %mul3A_388 = vector.broadcast %get3A_387 : f32 to vector<256x128xf32>
    %mul3A_389 = arith.mulf %mul3A_388, %get3A_4 : vector<256x128xf32>
    %sub3A_390 = vector.broadcast %get3A_1 : vector<1x128xf32> to vector<256x128xf32>
    %sub3A_391 = arith.subf %sub3A_390, %get3A_381 : vector<256x128xf32>
    %mul3A_392 = arith.mulf %mul3A_389, %sub3A_391 : vector<256x128xf32>
    %add3A_393 = arith.addf %get3A_381, %mul3A_392 : vector<256x128xf32>
    %swap3A_394 = arith.constant 5376 : index
    %swap3A_395 = arith.constant 0 : index
    %swap3A_396 = vector.load %arg5[%swap3A_394, %swap3A_395] : memref<8192x128xf32, #tpu.memory_space<vmem>>, vector<256x128xf32>
    tpu.vector_store %arg5[%swap3A_394, %swap3A_395], %add3A_393 {strides = array<i32>} : memref<8192x128xf32, #tpu.memory_space<vmem>>, vector<256x128xf32>,
    %get3A_397 = arith.constant 5632 : index
    %get3A_398 = arith.constant 0 : index
    %get3A_399 = vector.load %arg2[%get3A_397, %get3A_398] : memref<8192x128xf32, #tpu.memory_space<vmem>>, vector<256x128xf32>
    %mul3A_400 = arith.constant 32 : i32
    %mul3A_401 = arith.muli %arg0, %mul3A_400 : i32
    %add3A_402 = arith.constant 22 : i32
    %add3A_403 = arith.addi %mul3A_401, %add3A_402 : i32
    %get3A_404 = arith.index_cast %add3A_403 : i32 to index
    %get3A_405 = memref.load %arg1[%get3A_404] : memref<4096xf32, #tpu.memory_space<smem>>
    %mul3A_406 = vector.broadcast %get3A_405 : f32 to vector<256x128xf32>
    %mul3A_407 = arith.mulf %mul3A_406, %get3A_4 : vector<256x128xf32>
    %sub3A_408 = vector.broadcast %get3A_1 : vector<1x128xf32> to vector<256x128xf32>
    %sub3A_409 = arith.subf %sub3A_408, %get3A_399 : vector<256x128xf32>
    %mul3A_410 = arith.mulf %mul3A_407, %sub3A_409 : vector<256x128xf32>
    %add3A_411 = arith.addf %get3A_399, %mul3A_410 : vector<256x128xf32>
    %swap3A_412 = arith.constant 5632 : index
    %swap3A_413 = arith.constant 0 : index
    %swap3A_414 = vector.load %arg5[%swap3A_412, %swap3A_413] : memref<8192x128xf32, #tpu.memory_space<vmem>>, vector<256x128xf32>
    tpu.vector_store %arg5[%swap3A_412, %swap3A_413], %add3A_411 {strides = array<i32>} : memref<8192x128xf32, #tpu.memory_space<vmem>>, vector<256x128xf32>,
    %get3A_415 = arith.constant 5888 : index
    %get3A_416 = arith.constant 0 : index
    %get3A_417 = vector.load %arg2[%get3A_415, %get3A_416] : memref<8192x128xf32, #tpu.memory_space<vmem>>, vector<256x128xf32>
    %mul3A_418 = arith.constant 32 : i32
    %mul3A_419 = arith.muli %arg0, %mul3A_418 : i32
    %add3A_420 = arith.constant 23 : i32
    %add3A_421 = arith.addi %mul3A_419, %add3A_420 : i32
    %get3A_422 = arith.index_cast %add3A_421 : i32 to index
    %get3A_423 = memref.load %arg1[%get3A_422] : memref<4096xf32, #tpu.memory_space<smem>>
    %mul3A_424 = vector.broadcast %get3A_423 : f32 to vector<256x128xf32>
    %mul3A_425 = arith.mulf %mul3A_424, %get3A_4 : vector<256x128xf32>
    %sub3A_426 = vector.broadcast %get3A_1 : vector<1x128xf32> to vector<256x128xf32>
    %sub3A_427 = arith.subf %sub3A_426, %get3A_417 : vector<256x128xf32>
    %mul3A_428 = arith.mulf %mul3A_425, %sub3A_427 : vector<256x128xf32>
    %add3A_429 = arith.addf %get3A_417, %mul3A_428 : vector<256x128xf32>
    %swap3A_430 = arith.constant 5888 : index
    %swap3A_431 = arith.constant 0 : index
    %swap3A_432 = vector.load %arg5[%swap3A_430, %swap3A_431] : memref<8192x128xf32, #tpu.memory_space<vmem>>, vector<256x128xf32>
    tpu.vector_store %arg5[%swap3A_430, %swap3A_431], %add3A_429 {strides = array<i32>} : memref<8192x128xf32, #tpu.memory_space<vmem>>, vector<256x128xf32>,
    %get3A_433 = arith.constant 6144 : index
    %get3A_434 = arith.constant 0 : index
    %get3A_435 = vector.load %arg2[%get3A_433, %get3A_434] : memref<8192x128xf32, #tpu.memory_space<vmem>>, vector<256x128xf32>
    %mul3A_436 = arith.constant 32 : i32
    %mul3A_437 = arith.muli %arg0, %mul3A_436 : i32
    %add3A_438 = arith.constant 24 : i32
    %add3A_439 = arith.addi %mul3A_437, %add3A_438 : i32
    %get3A_440 = arith.index_cast %add3A_439 : i32 to index
    %get3A_441 = memref.load %arg1[%get3A_440] : memref<4096xf32, #tpu.memory_space<smem>>
    %mul3A_442 = vector.broadcast %get3A_441 : f32 to vector<256x128xf32>
    %mul3A_443 = arith.mulf %mul3A_442, %get3A_4 : vector<256x128xf32>
    %sub3A_444 = vector.broadcast %get3A_1 : vector<1x128xf32> to vector<256x128xf32>
    %sub3A_445 = arith.subf %sub3A_444, %get3A_435 : vector<256x128xf32>
    %mul3A_446 = arith.mulf %mul3A_443, %sub3A_445 : vector<256x128xf32>
    %add3A_447 = arith.addf %get3A_435, %mul3A_446 : vector<256x128xf32>
    %swap3A_448 = arith.constant 6144 : index
    %swap3A_449 = arith.constant 0 : index
    %swap3A_450 = vector.load %arg5[%swap3A_448, %swap3A_449] : memref<8192x128xf32, #tpu.memory_space<vmem>>, vector<256x128xf32>
    tpu.vector_store %arg5[%swap3A_448, %swap3A_449], %add3A_447 {strides = array<i32>} : memref<8192x128xf32, #tpu.memory_space<vmem>>, vector<256x128xf32>,
    %get3A_451 = arith.constant 6400 : index
    %get3A_452 = arith.constant 0 : index
    %get3A_453 = vector.load %arg2[%get3A_451, %get3A_452] : memref<8192x128xf32, #tpu.memory_space<vmem>>, vector<256x128xf32>
    %mul3A_454 = arith.constant 32 : i32
    %mul3A_455 = arith.muli %arg0, %mul3A_454 : i32
    %add3A_456 = arith.constant 25 : i32
    %add3A_457 = arith.addi %mul3A_455, %add3A_456 : i32
    %get3A_458 = arith.index_cast %add3A_457 : i32 to index
    %get3A_459 = memref.load %arg1[%get3A_458] : memref<4096xf32, #tpu.memory_space<smem>>
    %mul3A_460 = vector.broadcast %get3A_459 : f32 to vector<256x128xf32>
    %mul3A_461 = arith.mulf %mul3A_460, %get3A_4 : vector<256x128xf32>
    %sub3A_462 = vector.broadcast %get3A_1 : vector<1x128xf32> to vector<256x128xf32>
    %sub3A_463 = arith.subf %sub3A_462, %get3A_453 : vector<256x128xf32>
    %mul3A_464 = arith.mulf %mul3A_461, %sub3A_463 : vector<256x128xf32>
    %add3A_465 = arith.addf %get3A_453, %mul3A_464 : vector<256x128xf32>
    %swap3A_466 = arith.constant 6400 : index
    %swap3A_467 = arith.constant 0 : index
    %swap3A_468 = vector.load %arg5[%swap3A_466, %swap3A_467] : memref<8192x128xf32, #tpu.memory_space<vmem>>, vector<256x128xf32>
    tpu.vector_store %arg5[%swap3A_466, %swap3A_467], %add3A_465 {strides = array<i32>} : memref<8192x128xf32, #tpu.memory_space<vmem>>, vector<256x128xf32>,
    %get3A_469 = arith.constant 6656 : index
    %get3A_470 = arith.constant 0 : index
    %get3A_471 = vector.load %arg2[%get3A_469, %get3A_470] : memref<8192x128xf32, #tpu.memory_space<vmem>>, vector<256x128xf32>
    %mul3A_472 = arith.constant 32 : i32
    %mul3A_473 = arith.muli %arg0, %mul3A_472 : i32
    %add3A_474 = arith.constant 26 : i32
    %add3A_475 = arith.addi %mul3A_473, %add3A_474 : i32
    %get3A_476 = arith.index_cast %add3A_475 : i32 to index
    %get3A_477 = memref.load %arg1[%get3A_476] : memref<4096xf32, #tpu.memory_space<smem>>
    %mul3A_478 = vector.broadcast %get3A_477 : f32 to vector<256x128xf32>
    %mul3A_479 = arith.mulf %mul3A_478, %get3A_4 : vector<256x128xf32>
    %sub3A_480 = vector.broadcast %get3A_1 : vector<1x128xf32> to vector<256x128xf32>
    %sub3A_481 = arith.subf %sub3A_480, %get3A_471 : vector<256x128xf32>
    %mul3A_482 = arith.mulf %mul3A_479, %sub3A_481 : vector<256x128xf32>
    %add3A_483 = arith.addf %get3A_471, %mul3A_482 : vector<256x128xf32>
    %swap3A_484 = arith.constant 6656 : index
    %swap3A_485 = arith.constant 0 : index
    %swap3A_486 = vector.load %arg5[%swap3A_484, %swap3A_485] : memref<8192x128xf32, #tpu.memory_space<vmem>>, vector<256x128xf32>
    tpu.vector_store %arg5[%swap3A_484, %swap3A_485], %add3A_483 {strides = array<i32>} : memref<8192x128xf32, #tpu.memory_space<vmem>>, vector<256x128xf32>,
    %get3A_487 = arith.constant 6912 : index
    %get3A_488 = arith.constant 0 : index
    %get3A_489 = vector.load %arg2[%get3A_487, %get3A_488] : memref<8192x128xf32, #tpu.memory_space<vmem>>, vector<256x128xf32>
    %mul3A_490 = arith.constant 32 : i32
    %mul3A_491 = arith.muli %arg0, %mul3A_490 : i32
    %add3A_492 = arith.constant 27 : i32
    %add3A_493 = arith.addi %mul3A_491, %add3A_492 : i32
    %get3A_494 = arith.index_cast %add3A_493 : i32 to index
    %get3A_495 = memref.load %arg1[%get3A_494] : memref<4096xf32, #tpu.memory_space<smem>>
    %mul3A_496 = vector.broadcast %get3A_495 : f32 to vector<256x128xf32>
    %mul3A_497 = arith.mulf %mul3A_496, %get3A_4 : vector<256x128xf32>
    %sub3A_498 = vector.broadcast %get3A_1 : vector<1x128xf32> to vector<256x128xf32>
    %sub3A_499 = arith.subf %sub3A_498, %get3A_489 : vector<256x128xf32>
    %mul3A_500 = arith.mulf %mul3A_497, %sub3A_499 : vector<256x128xf32>
    %add3A_501 = arith.addf %get3A_489, %mul3A_500 : vector<256x128xf32>
    %swap3A_502 = arith.constant 6912 : index
    %swap3A_503 = arith.constant 0 : index
    %swap3A_504 = vector.load %arg5[%swap3A_502, %swap3A_503] : memref<8192x128xf32, #tpu.memory_space<vmem>>, vector<256x128xf32>
    tpu.vector_store %arg5[%swap3A_502, %swap3A_503], %add3A_501 {strides = array<i32>} : memref<8192x128xf32, #tpu.memory_space<vmem>>, vector<256x128xf32>,
    %get3A_505 = arith.constant 7168 : index
    %get3A_506 = arith.constant 0 : index
    %get3A_507 = vector.load %arg2[%get3A_505, %get3A_506] : memref<8192x128xf32, #tpu.memory_space<vmem>>, vector<256x128xf32>
    %mul3A_508 = arith.constant 32 : i32
    %mul3A_509 = arith.muli %arg0, %mul3A_508 : i32
    %add3A_510 = arith.constant 28 : i32
    %add3A_511 = arith.addi %mul3A_509, %add3A_510 : i32
    %get3A_512 = arith.index_cast %add3A_511 : i32 to index
    %get3A_513 = memref.load %arg1[%get3A_512] : memref<4096xf32, #tpu.memory_space<smem>>
    %mul3A_514 = vector.broadcast %get3A_513 : f32 to vector<256x128xf32>
    %mul3A_515 = arith.mulf %mul3A_514, %get3A_4 : vector<256x128xf32>
    %sub3A_516 = vector.broadcast %get3A_1 : vector<1x128xf32> to vector<256x128xf32>
    %sub3A_517 = arith.subf %sub3A_516, %get3A_507 : vector<256x128xf32>
    %mul3A_518 = arith.mulf %mul3A_515, %sub3A_517 : vector<256x128xf32>
    %add3A_519 = arith.addf %get3A_507, %mul3A_518 : vector<256x128xf32>
    %swap3A_520 = arith.constant 7168 : index
    %swap3A_521 = arith.constant 0 : index
    %swap3A_522 = vector.load %arg5[%swap3A_520, %swap3A_521] : memref<8192x128xf32, #tpu.memory_space<vmem>>, vector<256x128xf32>
    tpu.vector_store %arg5[%swap3A_520, %swap3A_521], %add3A_519 {strides = array<i32>} : memref<8192x128xf32, #tpu.memory_space<vmem>>, vector<256x128xf32>,
    %get3A_523 = arith.constant 7424 : index
    %get3A_524 = arith.constant 0 : index
    %get3A_525 = vector.load %arg2[%get3A_523, %get3A_524] : memref<8192x128xf32, #tpu.memory_space<vmem>>, vector<256x128xf32>
    %mul3A_526 = arith.constant 32 : i32
    %mul3A_527 = arith.muli %arg0, %mul3A_526 : i32
    %add3A_528 = arith.constant 29 : i32
    %add3A_529 = arith.addi %mul3A_527, %add3A_528 : i32
    %get3A_530 = arith.index_cast %add3A_529 : i32 to index
    %get3A_531 = memref.load %arg1[%get3A_530] : memref<4096xf32, #tpu.memory_space<smem>>
    %mul3A_532 = vector.broadcast %get3A_531 : f32 to vector<256x128xf32>
    %mul3A_533 = arith.mulf %mul3A_532, %get3A_4 : vector<256x128xf32>
    %sub3A_534 = vector.broadcast %get3A_1 : vector<1x128xf32> to vector<256x128xf32>
    %sub3A_535 = arith.subf %sub3A_534, %get3A_525 : vector<256x128xf32>
    %mul3A_536 = arith.mulf %mul3A_533, %sub3A_535 : vector<256x128xf32>
    %add3A_537 = arith.addf %get3A_525, %mul3A_536 : vector<256x128xf32>
    %swap3A_538 = arith.constant 7424 : index
    %swap3A_539 = arith.constant 0 : index
    %swap3A_540 = vector.load %arg5[%swap3A_538, %swap3A_539] : memref<8192x128xf32, #tpu.memory_space<vmem>>, vector<256x128xf32>
    tpu.vector_store %arg5[%swap3A_538, %swap3A_539], %add3A_537 {strides = array<i32>} : memref<8192x128xf32, #tpu.memory_space<vmem>>, vector<256x128xf32>,
    %get3A_541 = arith.constant 7680 : index
    %get3A_542 = arith.constant 0 : index
    %get3A_543 = vector.load %arg2[%get3A_541, %get3A_542] : memref<8192x128xf32, #tpu.memory_space<vmem>>, vector<256x128xf32>
    %mul3A_544 = arith.constant 32 : i32
    %mul3A_545 = arith.muli %arg0, %mul3A_544 : i32
    %add3A_546 = arith.constant 30 : i32
    %add3A_547 = arith.addi %mul3A_545, %add3A_546 : i32
    %get3A_548 = arith.index_cast %add3A_547 : i32 to index
    %get3A_549 = memref.load %arg1[%get3A_548] : memref<4096xf32, #tpu.memory_space<smem>>
    %mul3A_550 = vector.broadcast %get3A_549 : f32 to vector<256x128xf32>
    %mul3A_551 = arith.mulf %mul3A_550, %get3A_4 : vector<256x128xf32>
    %sub3A_552 = vector.broadcast %get3A_1 : vector<1x128xf32> to vector<256x128xf32>
    %sub3A_553 = arith.subf %sub3A_552, %get3A_543 : vector<256x128xf32>
    %mul3A_554 = arith.mulf %mul3A_551, %sub3A_553 : vector<256x128xf32>
    %add3A_555 = arith.addf %get3A_543, %mul3A_554 : vector<256x128xf32>
    %swap3A_556 = arith.constant 7680 : index
    %swap3A_557 = arith.constant 0 : index
    %swap3A_558 = vector.load %arg5[%swap3A_556, %swap3A_557] : memref<8192x128xf32, #tpu.memory_space<vmem>>, vector<256x128xf32>
    tpu.vector_store %arg5[%swap3A_556, %swap3A_557], %add3A_555 {strides = array<i32>} : memref<8192x128xf32, #tpu.memory_space<vmem>>, vector<256x128xf32>,
    %get3A_559 = arith.constant 7936 : index
    %get3A_560 = arith.constant 0 : index
    %get3A_561 = vector.load %arg2[%get3A_559, %get3A_560] : memref<8192x128xf32, #tpu.memory_space<vmem>>, vector<256x128xf32>
    %mul3A_562 = arith.constant 32 : i32
    %mul3A_563 = arith.muli %arg0, %mul3A_562 : i32
    %add3A_564 = arith.constant 31 : i32
    %add3A_565 = arith.addi %mul3A_563, %add3A_564 : i32
    %get3A_566 = arith.index_cast %add3A_565 : i32 to index
    %get3A_567 = memref.load %arg1[%get3A_566] : memref<4096xf32, #tpu.memory_space<smem>>
    %mul3A_568 = vector.broadcast %get3A_567 : f32 to vector<256x128xf32>
    %mul3A_569 = arith.mulf %mul3A_568, %get3A_4 : vector<256x128xf32>
    %sub3A_570 = vector.broadcast %get3A_1 : vector<1x128xf32> to vector<256x128xf32>
    %sub3A_571 = arith.subf %sub3A_570, %get3A_561 : vector<256x128xf32>
    %mul3A_572 = arith.mulf %mul3A_569, %sub3A_571 : vector<256x128xf32>
    %add3A_573 = arith.addf %get3A_561, %mul3A_572 : vector<256x128xf32>
    %swap3A_574 = arith.constant 7936 : index
    %swap3A_575 = arith.constant 0 : index
    %swap3A_576 = vector.load %arg5[%swap3A_574, %swap3A_575] : memref<8192x128xf32, #tpu.memory_space<vmem>>, vector<256x128xf32>
    tpu.vector_store %arg5[%swap3A_574, %swap3A_575], %add3A_573 {strides = array<i32>} : memref<8192x128xf32, #tpu.memory_space<vmem>>, vector<256x128xf32>,
    return
  }
  func.func @transform_0(%arg0: i32, %arg1: memref<4096xf32, #tpu.memory_space<smem>>) -> (i32, i32) {
    %c0_i32 = arith.constant 0 : i32
    %c0_i32_0 = arith.constant 0 : i32
    return %arg0, %c0_i32 : i32, i32
  }
  func.func @transform_1(%arg0: i32, %arg1: memref<4096xf32, #tpu.memory_space<smem>>) -> (i32, i32) {
    %c0_i32 = arith.constant 0 : i32
    %c0_i32_0 = arith.constant 0 : i32
    %c0_i32_1 = arith.constant 0 : i32
    return %c0_i32, %c0_i32_0 : i32, i32
  }
  func.func @transform_2(%arg0: i32, %arg1: memref<4096xf32, #tpu.memory_space<smem>>) -> (i32, i32) {
    %c0_i32 = arith.constant 0 : i32
    %c0_i32_0 = arith.constant 0 : i32
    %c0_i32_1 = arith.constant 0 : i32
    return %c0_i32, %c0_i32_0 : i32, i32
  }
  func.func @transform_3(%arg0: i32, %arg1: memref<4096xf32, #tpu.memory_space<smem>>) -> (i32, i32) {
    %c0_i32 = arith.constant 0 : i32
    %c0_i32_0 = arith.constant 0 : i32
    return %arg0, %c0_i32 : i32, i32
  }
}

</mosaic_0001>

<sc_bundles>
// kernel: sparse-core-data-format-call.cloned.1.call-start
scs
called_computation_lowered:
.L_overlay_start_0:
0x0: {  	s2 =	sld [smem:$0x3FD9]  }
0x1: {  	s3 =	sld [smem:$0x3FFE];
	_ =	sdelay $0x1  }
0x2: {  	s1 =	srdreg.scid  }
0x3: {  	s0 =	sand.u32 $0x1, s1  }
0x4: {  	s18 =	sshll.u32 s0, $0xA;
	s2 =	sadd.s32 s3, s2  }
0x5: {  	s2 =	sadd.s32 s2, s18  }
0x6: {  	[smem:$0x3FC4] =	sst s2  }
0x7: {  	_ = 	snop  }
0x8: {  	s2 =	sld [smem:$0x3FD0];
	(tm) =	ssettm $0x1  }
0x9: {  	s19 =	sld [smem:$0x3FFB];
	_ =	sdelay $0x3  }
0xa: {  	_ =	strace s19  }
0xb: {  	s3 =	sld [smem:$0x3FFC];
	_ =	sdelay $0x3  }
0xc: {  	_ =	strace s3  }
0xd: {  	s3 =	sld [smem:$0x3FFD];
	_ =	sdelay $0x3  }
0xe: {  	_ =	strace s3  }
0xf: {  	_ =	strace $0x8FFFFFFF  }
0x10: {  	s20 =	sld [smem:$0x3FDB];
	_ =	sdelay $0x1  }
0x11: {  	s4 =	simm.s32 $_scs_section_size  }
0x12: {  	s5 =	simm.s32 $_size__tile_overlayer_lowered;
	s6 =	simm.s32 $_tile_overlayer_lowered  }
0x13: {  	s23 =	simm.s32 $0x1BFF;
	s22 =	sshll.u32 s6, $0x1;
	s3 =	sadd.s32 s4, s20  }
0x14: {  	s7 =	simm.s32 $0x0;
	s21 =	sshll.u32 s5, $0x1;
	s5 =	sadd.s32 s22, s3  }
0x15: {  	[timem:s7], [sflag:s23] =	dma.local [hbm:s5], s21  }
0x16: {  	_ =	swait.ge [sflag:s23], s21  }
0x17: {  	s4 =	ssub.s32 $0x0, s21;
	[sflag:s23] =	ssyncset.done $0x0  }
0x18: {  	[sflag:s23] =	ssyncadd.s32 s4;
	_ =	sdelay $0x1  }
0x19: {  	s24 =	simm.s32 $0x1B8B  }
0x1a: {  	_ =	swait.ge [sflag:s24], $0x1  }
0x1b: {  	[sflag:s24] =	ssyncset.done $0x0  }
0x1c: {  	s26 =	simm.s32 $0x1B8E;
	s25 =	sld [smem:$0x3FFE];
	[sflag:s24] =	ssyncadd.s32 $0xFFFFFFFF  }
0x1d: {  	s27 =	simm.s32 $execute0_lowered;
	[smem:$0x3FD2] =	sst s26  }
0x1e: {  	s5 =	sshll.u32 s27, $0x1;
	_ =	strace $0x80000046;
	[dreg:$0x1] =	wrdreg $0xFFFFFFFF  }
0x1f: {  	s28 =	simm.s32 $_size_execute0_lowered;
	s3 =	sadd.s32 s3, s5;
	[dreg:$0x0] =	wrdreg $0x0  }
0x20: {  	s5 =	sshll.u32 s28, $0x1;
	[dreg:$0x2] =	wrdreg s3  }
0x21: {  	[dreg:$0x3] =	wrdreg s5  }
0x22: {  	[dreg:$0x4] =	wrdreg $0xC0  }
0x23: {  	_ =	task [dreg:s7], $0x5FFFF  }
0x24: {  	[dreg:$0x1] =	wrdreg $0xFFFFFFFF  }
0x25: {  	[dreg:$0x0] =	wrdreg $0x60  }
0x26: {  	[dreg:$0x2] =	wrdreg s25  }
0x27: {  	[dreg:$0x3] =	wrdreg s2  }
0x28: {  	[dreg:$0x4] =	wrdreg $0x9  }
0x29: {  	_ =	task.clear_ibuf [dreg:s7], $0x5FFFF;
	_ =	strace $0x90000046  }
0x2a: {  	s29 =	simm.s32 $0x9;
	_ =	strace $0x80000048  }
0x2b: {  	_ =	swait.ge [sflag:s29], $0x1  }
0x2c: {  	[sflag:s29] =	ssyncadd.s32 $0xFFFFFFFF  }
0x2d: {  	_ =	strace $0x90000048  }
0x2e: {  	_ =	sfence  }
0x2f: {  	s30 =	sld [smem:$0x0];
	_ =	sdelay $0x2  }
0x30: {  	s31 =	sshll.u32 s1, $0xD;
	s1 =	sshrl.u32 s1, $0x2  }
0x31: {  	s3 =	sand.u32 $0x4000, s31;
	s1 =	sadd.s32 s1, s30  }
0x32: {  	s0 =	sor.u32 s3, s0;
	s1 =	sshll.u32 s1, $0x11  }
0x33: {  	s0 =	sor.u32 s1, s0  }
0x34: {  	s0 =	sadd.s32 $0x8F2B, s0  }
0x35: {  	[sflag:s0] =	ssyncadd.remote.s32 $0x1  }
0x36: {  	_ =	sfence.sel $0xFFFF  }
0x37: {  	[dreg:$0x0] =	wrdreg $0xFFFFFFFF;
	(pc) =	sbr.abs _section_cstart, $3  }
0x38: {  	[dreg:$0x1] =	wrdreg $0xFFFFFFFF  }
0x39: {  	_ =	task.clear_ibuf [dreg:s7], $0x2FFFF;
	_ =	strace $0x9FFFFFFF  }
0x3a: {  	(tm) =	ssettm $0x7FFFFFFF  }
0x3b: {  	_ =	shalt  }
tec
execute0_lowered:
.L_overlay_start_1:
0x0: {  	(tag) =	ssettag $0x1  }
0x1: {  	s0 =	srdreg.scid  }
0x2: {  	s1 =	rddreg [dreg:$0x0];
	s2 =	stileid.u32;
	_ =	strace $0x80000047  }
0x3: {  	s4 =	simm.s32 $0x1;
	s18 =	simm.s32 $0x2;
	s15 =	sadd.s32 $0x1000A00, s1  }
0x4: {  	s29 =	simm.s32 $0x0;
	s5 =	sadd.s32 $0x1010A00, s1;
	[dreg:$0x3] =	wrdreg s15  }
0x5: {  	s30 =	simm.s32 $0x0;
	s6 =	sadd.s32 $0x1020A00, s1;
	[dreg:$0x4] =	wrdreg s5  }
0x6: {  	s28 =	simm.s32 $0x0;
	s19 =	sadd.s32 $0x1030A00, s1;
	[dreg:$0x5] =	wrdreg s6  }
0x7: {  	s0 =	sshll.u32 s0, $0x4;
	s20 =	sadd.s32 $0x1040A00, s1;
	[dreg:$0x6] =	wrdreg s19  }
0x8: {  	[sflag:s4] =	ssyncpa.u1 $0x0;
	s21 =	sadd.s32 $0x1050A00, s1;
	[dreg:$0x7] =	wrdreg s20  }
0x9: {  	s22 =	sadd.s32 $0x1060A00, s1;
	s23 =	sadd.s32 $0x1070A00, s1;
	[dreg:$0x8] =	wrdreg s21  }
0xa: {  	s24 =	sadd.s32 $0x1080A00, s1;
	s25 =	sadd.s32 $0x1090A00, s1;
	[dreg:$0x9] =	wrdreg s22  }
0xb: {  	s26 =	sadd.s32 $0x10A0A00, s1;
	s0 =	sand.u32 $0x10, s0;
	[dreg:$0xa] =	wrdreg s23  }
0xc: {  	s31 =	sadd.s32 $0x10B0A00, s1;
	[dreg:$0xb] =	wrdreg s24;
	s0 =	sor.u32 s2, s0  }
0xd: {  	[sflag:s18] =	ssyncpa.u1 $0x0;
	[dreg:$0xc] =	wrdreg s25;
	s3 =	sshll.u32 s0, $0x4  }
0xe: {  	[dreg:$0xd] =	wrdreg s26;
	s18 =	sadd.s32 $0x10D0A00, s1;
	s16 =	ssub.s32 $0x1000, s3  }
0xf: {  	[dreg:$0xe] =	wrdreg s31;
	s20 =	sadd.s32 $0x10E0A00, s1;
	s0 =	sand.u32 $0x1F0, s16  }
.Ltmp0:
0x10: {  	p0 =	sne.s32 s0, $0x0;
	s0 =	simm.s32 $0x1;
	(pc) =	sbr.rel .LBB1_1-.Ltmp0, $4  }
0x11: {  	s21 =	sadd.s32 $0x10F0A00, s1;
	s17 =	sshrl.u32 s16, $0x9;
	s0 =	simm.s32 @!p0 $0x0  }
0x12: {  	s23 =	simm.s32 $0x8;
	s24 =	simm.s32 $0x80;
	s0 =	sadd.s32 s0, s17  }
0x13: {  	s26 =	simm.s32 $0x0;
	s27 =	smov.u32 s3;
	s19 =	sshll.u32 s0, $0x5  }
0x14: {  	p0 =	por $0x0, $0x0;
	s17 =	sadd.s32 $0x10C0A00, s1;
	s22 =	sor.u32 $0x1, s19  }
.LBB1_9:
0x15: {  	s0 =	sadd.s32 $0x80, s26  }
0x16: {  	s2 =	sadd.s32 $0x200, s27;
	s5 =	smov.u32 s27;
	p2 =	sgt.s32 s0, $0xFFF  }
0x17: {  	s5 =	smov.u32 @p2 s2  }
0x18: {  	s0 =	simm.s32 @p2 $0x0;
	p2 =	sgt.s32 s5, $0xFFF  }
0x19: {  	s5 =	smov.u32 @p2 s3;
	p2 =	sne.s32 s28, s22  }
.Ltmp1:
0x1a: {  	p1 =	slt.u32 s28, $0x2;
	(pc) =	sbr.rel @!p2 .LBB1_10-.Ltmp1, $4  }
0x1b: {  	s1 =	simm.s32 @!p1 $0x2  }
0x1c: {  	s29 =	smov.u32 s26;
	s30 =	smov.u32 s27;
	_ =	swait.ge @!p1 [sflag:s1], $0x4000  }
0x1d: {  	p0 =	por !p0, !p0;
	[sflag:s1] =	ssyncset.done @!p1 $0x0;
	s26 =	smov.u32 s0  }
0x1e: {  	s28 =	sadd.s32 $0x1, s28;
	[sflag:s1] =	ssyncadd.s32 @!p1 $0xFFFFC000;
	s27 =	smov.u32 s5  }
.LBB1_1:
0x1f: {  	p1 =	sge.u32 s28, s19  }
.Ltmp2:
0x20: {  	_ = 	snop;
	(pc) =	sbr.rel @p1 .LBB1_3-.Ltmp2, $1  }
0x21: {  	_ =	sdelay $0x3  }
0x22: {  	s0 =	sxor.u32 $0xFFFFFFFF, s28  }
0x23: {  	s1 =	sshll.u32 s27, $0x10;
	s2 =	sshll.u32 s26, $0x4;
	s5 =	rddreg [dreg:$0x3]  }
0x24: {  	s0 =	sshll.u32 s0, $0xE;
	s2 =	sand.u32 $0xFFF0, s2;
	s5 =	sadd.s32 s5, s1  }
0x25: {  	s16 =	rddreg [dreg:$0x4];
	s0 =	sand.u32 $0x4000, s0;
	s5 =	sadd.s32 s2, s5  }
0x26: {  	[tilespmem:s0], [sflag:$0x1] =	stream.strided.gather [hbm4b:s5+s23], $0x400, s24, s23, $0x38;
	[tilespmem:$0x10100] =	vst v63  }
0x27: {  	s5 =	sadd.s32 s1, s16  }
0x28: {  	s25 =	rddreg [dreg:$0x5];
	s6 =	sor.u32 $0x400, s0;
	s5 =	sadd.s32 s2, s5  }
0x29: {  	[tilespmem:s6], [sflag:$0x1] =	stream.strided.gather [hbm4b:s5+s23], $0x400, s24, s23, $0x38;
	[tilespmem:$0x10100] =	vst v63  }
0x2a: {  	s5 =	sadd.s32 s1, s25  }
0x2b: {  	s7 =	rddreg [dreg:$0x6];
	s31 =	sor.u32 $0x800, s0;
	s5 =	sadd.s32 s2, s5  }
0x2c: {  	[tilespmem:s31], [sflag:$0x1] =	stream.strided.gather [hbm4b:s5+s23], $0x400, s24, s23, $0x38;
	[tilespmem:$0x10100] =	vst v63  }
0x2d: {  	s5 =	sadd.s32 s1, s7  }
0x2e: {  	s9 =	rddreg [dreg:$0x7];
	s8 =	sor.u32 $0xC00, s0;
	s5 =	sadd.s32 s2, s5  }
0x2f: {  	[tilespmem:s8], [sflag:$0x1] =	stream.strided.gather [hbm4b:s5+s23], $0x400, s24, s23, $0x38;
	[tilespmem:$0x10100] =	vst v63  }
0x30: {  	s5 =	sadd.s32 s1, s9  }
0x31: {  	s11 =	rddreg [dreg:$0x8];
	s10 =	sor.u32 $0x1000, s0;
	s5 =	sadd.s32 s2, s5  }
0x32: {  	[tilespmem:s10], [sflag:$0x1] =	stream.strided.gather [hbm4b:s5+s23], $0x400, s24, s23, $0x38;
	[tilespmem:$0x10100] =	vst v63  }
0x33: {  	s5 =	sadd.s32 s1, s11  }
0x34: {  	s13 =	rddreg [dreg:$0x9];
	s12 =	sor.u32 $0x1400, s0;
	s5 =	sadd.s32 s2, s5  }
0x35: {  	[tilespmem:s12], [sflag:$0x1] =	stream.strided.gather [hbm4b:s5+s23], $0x400, s24, s23, $0x38;
	[tilespmem:$0x10100] =	vst v63  }
0x36: {  	s5 =	sadd.s32 s1, s13  }
0x37: {  	s15 =	rddreg [dreg:$0xa];
	s14 =	sor.u32 $0x1800, s0;
	s5 =	sadd.s32 s2, s5  }
0x38: {  	[tilespmem:s14], [sflag:$0x1] =	stream.strided.gather [hbm4b:s5+s23], $0x400, s24, s23, $0x38;
	[tilespmem:$0x10100] =	vst v63  }
0x39: {  	s5 =	sadd.s32 s1, s15  }
0x3a: {  	s16 =	sor.u32 $0x1C00, s0;
	s25 =	rddreg [dreg:$0xb];
	s5 =	sadd.s32 s2, s5  }
0x3b: {  	[tilespmem:s16], [sflag:$0x1] =	stream.strided.gather [hbm4b:s5+s23], $0x400, s24, s23, $0x38;
	[tilespmem:$0x10100] =	vst v63  }
0x3c: {  	s5 =	sadd.s32 s1, s25  }
0x3d: {  	s31 =	sor.u32 $0x2000, s0;
	s7 =	rddreg [dreg:$0xc];
	s5 =	sadd.s32 s2, s5  }
0x3e: {  	[tilespmem:s31], [sflag:$0x1] =	stream.strided.gather [hbm4b:s5+s23], $0x400, s24, s23, $0x38;
	[tilespmem:$0x10100] =	vst v63  }
0x3f: {  	s5 =	sadd.s32 s1, s7  }
0x40: {  	s8 =	sor.u32 $0x2400, s0;
	s9 =	rddreg [dreg:$0xd];
	s5 =	sadd.s32 s2, s5  }
0x41: {  	[tilespmem:s8], [sflag:$0x1] =	stream.strided.gather [hbm4b:s5+s23], $0x400, s24, s23, $0x38;
	[tilespmem:$0x10100] =	vst v63  }
0x42: {  	s5 =	sadd.s32 s1, s9  }
0x43: {  	s10 =	sor.u32 $0x2800, s0;
	s11 =	rddreg [dreg:$0xe];
	s5 =	sadd.s32 s2, s5  }
0x44: {  	[tilespmem:s10], [sflag:$0x1] =	stream.strided.gather [hbm4b:s5+s23], $0x400, s24, s23, $0x38;
	[tilespmem:$0x10100] =	vst v63  }
0x45: {  	s5 =	sadd.s32 s1, s11  }
0x46: {  	s12 =	sor.u32 $0x2C00, s0;
	s13 =	sadd.s32 s1, s17;
	s5 =	sadd.s32 s2, s5  }
0x47: {  	[tilespmem:s12], [sflag:$0x1] =	stream.strided.gather [hbm4b:s5+s23], $0x400, s24, s23, $0x38;
	[tilespmem:$0x10100] =	vst v63  }
0x48: {  	s14 =	sor.u32 $0x3000, s0;
	s15 =	sadd.s32 s1, s18;
	s5 =	sadd.s32 s2, s13  }
0x49: {  	[tilespmem:s14], [sflag:$0x1] =	stream.strided.gather [hbm4b:s5+s23], $0x400, s24, s23, $0x38;
	[tilespmem:$0x10100] =	vst v63  }
0x4a: {  	s16 =	sor.u32 $0x3400, s0;
	s25 =	sadd.s32 s1, s20;
	s5 =	sadd.s32 s2, s15  }
0x4b: {  	[tilespmem:s16], [sflag:$0x1] =	stream.strided.gather [hbm4b:s5+s23], $0x400, s24, s23, $0x38;
	[tilespmem:$0x10100] =	vst v63  }
0x4c: {  	s31 =	sor.u32 $0x3800, s0;
	s1 =	sadd.s32 s1, s21;
	s5 =	sadd.s32 s2, s25  }
0x4d: {  	[tilespmem:s31], [sflag:$0x1] =	stream.strided.gather [hbm4b:s5+s23], $0x400, s24, s23, $0x38;
	[tilespmem:$0x10100] =	vst v63  }
0x4e: {  	s0 =	sor.u32 $0x3C00, s0;
	s1 =	sadd.s32 s2, s1  }
0x4f: {  	[tilespmem:s0], [sflag:$0x1] =	stream.strided.gather [hbm4b:s1+s23], $0x400, s24, s23, $0x38;
	[tilespmem:$0x10100] =	vst v63  }
.LBB1_3:
0x50: {  	s0 =	sadd.s32 $0xFFFFFFFF, s28  }
0x51: {  	p1 =	sge.u32 s0, s19  }
.Ltmp3:
0x52: {  	_ = 	snop;
	(pc) =	sbr.rel @p1 .LBB1_9-.Ltmp3, $1  }
0x53: {  	_ =	sdelay $0x3  }
0x54: {  	s0 =	simm.s32 $0x1;
	s2 =	sand.u32 $0x1, s28  }
0x55: {  	_ =	swait.ge [sflag:s4], $0x4000;
	s0 =	simm.s32 @!p0 $0x0;
	s2 =	smul.u32 $0x10200, s2  }
0x56: {  	[sflag:s4] =	ssyncset.done $0x0;
	s1 =	smul.u32 $0x10200, s0  }
0x57: {  	s0 =	sshll.u32 s0, $0xE;
	[sflag:s4] =	ssyncadd.s32 $0xFFFFC000  }
0x58: {  	s25 =	sshrl.u32 s2, $0x2;
	s2 =	simm.s32 $0x0;
	s1 =	sshrl.u32 s1, $0x2  }
0x59: {  	s31 =	sor.u32 $0x8000, s25;
	s14 =	sor.u32 $0x8007, s1;
	s1 =	sor.u32 $0x20, s0  }
.LBB1_5:
0x5a: {  	v0 =	vld.msk [tilespmem:s1+$0xFFFFFFE0], $0xff;
	_ =	sdelay $0x4  }
0x5b: {  	[tilespmem:s14+$0xFFFFFFF9 ss:$0x81] =	vst.msk $0xff, v0  }
0x5c: {  	v0 =	vld.msk [tilespmem:s1+$0xFFFFFFE8], $0xff  }
0x5d: {  	s5 =	sadd.s32 $0x40, s1  }
0x5e: {  	v1 =	vld.msk [tilespmem:s5+$0xFFFFFFE0], $0xff;
	_ =	sdelay $0x2  }
0x5f: {  	[tilespmem:s14+$0xFFFFFFFA ss:$0x81] =	vst.msk $0xff, v0  }
0x60: {  	s25 =	sadd.s32 $0x8, s14;
	v0 =	vld.msk [tilespmem:s1+$0xFFFFFFF0], $0xff  }
0x61: {  	[tilespmem:s25+$0xFFFFFFF9 ss:$0x81] =	vst.msk $0xff, v1  }
0x62: {  	v1 =	vld.msk [tilespmem:s5+$0xFFFFFFE8], $0xff  }
0x63: {  	s7 =	sadd.s32 $0x40, s5  }
0x64: {  	v2 =	vld.msk [tilespmem:s7+$0xFFFFFFE0], $0xff  }
0x65: {  	[tilespmem:s14+$0xFFFFFFFB ss:$0x81] =	vst.msk $0xff, v0  }
0x66: {  	v0 =	vld.msk [tilespmem:s1+$0xFFFFFFF8], $0xff  }
0x67: {  	[tilespmem:s25+$0xFFFFFFFA ss:$0x81] =	vst.msk $0xff, v1  }
0x68: {  	s6 =	sadd.s32 $0x8, s25;
	v1 =	vld.msk [tilespmem:s5+$0xFFFFFFF0], $0xff  }
0x69: {  	[tilespmem:s6+$0xFFFFFFF9 ss:$0x81] =	vst.msk $0xff, v2  }
0x6a: {  	s9 =	sadd.s32 $0x40, s7;
	v2 =	vld.msk [tilespmem:s7+$0xFFFFFFE8], $0xff  }
0x6b: {  	[tilespmem:s14+$0xFFFFFFFC ss:$0x81] =	vst.msk $0xff, v0;
	v0 =	vld.msk [tilespmem:s9+$0xFFFFFFE0], $0xff  }
0x6c: {  	v3 =	vld.msk [tilespmem:s1+$0x0], $0xff  }
0x6d: {  	[tilespmem:s25+$0xFFFFFFFB ss:$0x81] =	vst.msk $0xff, v1  }
0x6e: {  	v1 =	vld.msk [tilespmem:s5+$0xFFFFFFF8], $0xff  }
0x6f: {  	s8 =	sadd.s32 $0x8, s6;
	[tilespmem:s6+$0xFFFFFFFA ss:$0x81] =	vst.msk $0xff, v2  }
0x70: {  	v2 =	vld.msk [tilespmem:s7+$0xFFFFFFF0], $0xff;
	[tilespmem:s8+$0xFFFFFFF9 ss:$0x81] =	vst.msk $0xff, v0  }
0x71: {  	v0 =	vld.msk [tilespmem:s9+$0xFFFFFFE8], $0xff;
	[tilespmem:s14+$0xFFFFFFFD ss:$0x81] =	vst.msk $0xff, v3  }
0x72: {  	s10 =	sadd.s32 $0x40, s9;
	v3 =	vld.msk [tilespmem:s1+$0x8], $0xff  }
0x73: {  	[tilespmem:s25+$0xFFFFFFFC ss:$0x81] =	vst.msk $0xff, v1;
	v1 =	vld.msk [tilespmem:s10+$0xFFFFFFE0], $0xff  }
0x74: {  	v4 =	vld.msk [tilespmem:s5+$0x0], $0xff  }
0x75: {  	[tilespmem:s6+$0xFFFFFFFB ss:$0x81] =	vst.msk $0xff, v2  }
0x76: {  	v2 =	vld.msk [tilespmem:s7+$0xFFFFFFF8], $0xff;
	[tilespmem:s8+$0xFFFFFFFA ss:$0x81] =	vst.msk $0xff, v0  }
0x77: {  	s11 =	sadd.s32 $0x8, s8;
	v0 =	vld.msk [tilespmem:s9+$0xFFFFFFF0], $0xff;
	[tilespmem:s14+$0xFFFFFFFE ss:$0x81] =	vst.msk $0xff, v3  }
0x78: {  	[tilespmem:s11+$0xFFFFFFF9 ss:$0x81] =	vst.msk $0xff, v1;
	v1 =	vld.msk [tilespmem:s1+$0x10], $0xff  }
0x79: {  	[tilespmem:s25+$0xFFFFFFFD ss:$0x81] =	vst.msk $0xff, v4;
	v3 =	vld.msk [tilespmem:s10+$0xFFFFFFE8], $0xff  }
0x7a: {  	s12 =	sadd.s32 $0x40, s10;
	v4 =	vld.msk [tilespmem:s5+$0x8], $0xff  }
0x7b: {  	[tilespmem:s6+$0xFFFFFFFC ss:$0x81] =	vst.msk $0xff, v2;
	v2 =	vld.msk [tilespmem:s12+$0xFFFFFFE0], $0xff  }
0x7c: {  	v5 =	vld.msk [tilespmem:s7+$0x0], $0xff;
	[tilespmem:s8+$0xFFFFFFFB ss:$0x81] =	vst.msk $0xff, v0  }
0x7d: {  	v6 =	vld.msk [tilespmem:s9+$0xFFFFFFF8], $0xff;
	[tilespmem:s14+$0xFFFFFFFF ss:$0x81] =	vst.msk $0xff, v1  }
0x7e: {  	[tilespmem:s11+$0xFFFFFFFA ss:$0x81] =	vst.msk $0xff, v3;
	v0 =	vld.msk [tilespmem:s1+$0x18], $0xff  }
0x7f: {  	s13 =	sadd.s32 $0x8, s11;
	[tilespmem:s25+$0xFFFFFFFE ss:$0x81] =	vst.msk $0xff, v4;
	v3 =	vld.msk [tilespmem:s10+$0xFFFFFFF0], $0xff  }
0x80: {  	[tilespmem:s13+$0xFFFFFFF9 ss:$0x81] =	vst.msk $0xff, v2;
	v1 =	vld.msk [tilespmem:s5+$0x10], $0xff  }
0x81: {  	[tilespmem:s6+$0xFFFFFFFD ss:$0x81] =	vst.msk $0xff, v5;
	v4 =	vld.msk [tilespmem:s12+$0xFFFFFFE8], $0xff  }
0x82: {  	s15 =	simm.s32 $0x28;
	s0 =	smov.u32 s14;
	s16 =	sadd.s32 $0x40, s12;
	v2 =	vld.msk [tilespmem:s7+$0x8], $0xff;
	[tilespmem:s8+$0xFFFFFFFC ss:$0x81] =	vst.msk $0xff, v6  }
.LBB1_6:
0x83: {  	v5 =	vld.msk [tilespmem:s16+$0xFFFFFFE0], $0xff;
	[tilespmem:s0+$0x0 ss:$0x81] =	vst.msk $0xff, v0;
	s0 =	smov.u32 s25;
	s25 =	smov.u32 s6;
	s6 =	smov.u32 s8  }
0x84: {  	s15 =	sadd.s32 $0x8, s15;
	s8 =	smov.u32 s11;
	[tilespmem:s11+$0xFFFFFFFB ss:$0x81] =	vst.msk $0xff, v3;
	v6 =	vld.msk [tilespmem:s9+$0x0], $0xff;
	s11 =	smov.u32 s13  }
0x85: {  	p1 =	slt.u32 s15, $0x78;
	v7 =	vld.msk [tilespmem:s10+$0xFFFFFFF8], $0xff;
	[tilespmem:s0+$0xFFFFFFFF ss:$0x81] =	vst.msk $0xff, v1  }
.Ltmp4:
0x86: {  	[tilespmem:s13+$0xFFFFFFFA ss:$0x81] =	vst.msk $0xff, v4;
	v0 =	vld.msk [tilespmem:s5+$0x18], $0xff;
	s5 =	smov.u32 s7;
	s7 =	smov.u32 s9;
	(pc) =	sbr.rel @p1 .LBB1_6-.Ltmp4, $4  }
0x87: {  	s13 =	sadd.s32 $0x8, s13;
	s9 =	smov.u32 s10;
	s10 =	smov.u32 s12;
	v3 =	vld.msk [tilespmem:s12+$0xFFFFFFF0], $0xff;
	[tilespmem:s25+$0xFFFFFFFE ss:$0x81] =	vst.msk $0xff, v2  }
0x88: {  	s12 =	smov.u32 s16;
	[tilespmem:s13+$0xFFFFFFF9 ss:$0x81] =	vst.msk $0xff, v5;
	v1 =	vld.msk [tilespmem:s5+$0x10], $0xff  }
0x89: {  	v4 =	vld.msk [tilespmem:s16+$0xFFFFFFE8], $0xff;
	[tilespmem:s6+$0xFFFFFFFD ss:$0x81] =	vst.msk $0xff, v6  }
0x8a: {  	s16 =	sadd.s32 $0x40, s16;
	[tilespmem:s8+$0xFFFFFFFC ss:$0x81] =	vst.msk $0xff, v7;
	v2 =	vld.msk [tilespmem:s7+$0x8], $0xff  }
0x8b: {  	_ =	sdelay $0x2  }
0x8c: {  	[tilespmem:s13+$0xFFFFFFFA ss:$0x81] =	vst.msk $0xff, v4  }
0x8d: {  	v4 =	vld.msk [tilespmem:s12+$0xFFFFFFF0], $0xff;
	_ =	sdelay $0x3  }
0x8e: {  	[tilespmem:s11+$0xFFFFFFFB ss:$0x81] =	vst.msk $0xff, v3  }
0x8f: {  	v3 =	vld.msk [tilespmem:s10+$0xFFFFFFF8], $0xff;
	[tilespmem:s13+$0xFFFFFFFB ss:$0x81] =	vst.msk $0xff, v4  }
0x90: {  	v4 =	vld.msk [tilespmem:s12+$0xFFFFFFF8], $0xff;
	_ =	sdelay $0x3  }
0x91: {  	v5 =	vld.msk [tilespmem:s9+$0x0], $0xff;
	[tilespmem:s11+$0xFFFFFFFC ss:$0x81] =	vst.msk $0xff, v3  }
0x92: {  	v3 =	vld.msk [tilespmem:s10+$0x0], $0xff;
	[tilespmem:s13+$0xFFFFFFFC ss:$0x81] =	vst.msk $0xff, v4  }
0x93: {  	v4 =	vld.msk [tilespmem:s12+$0x0], $0xff;
	_ =	sdelay $0x2  }
0x94: {  	[tilespmem:s8+$0xFFFFFFFD ss:$0x81] =	vst.msk $0xff, v5  }
0x95: {  	v5 =	vld.msk [tilespmem:s9+$0x8], $0xff;
	[tilespmem:s11+$0xFFFFFFFD ss:$0x81] =	vst.msk $0xff, v3  }
0x96: {  	v3 =	vld.msk [tilespmem:s10+$0x8], $0xff;
	[tilespmem:s13+$0xFFFFFFFD ss:$0x81] =	vst.msk $0xff, v4  }
0x97: {  	v4 =	vld.msk [tilespmem:s12+$0x8], $0xff;
	_ =	sdelay $0x1  }
0x98: {  	[tilespmem:s6+$0xFFFFFFFE ss:$0x81] =	vst.msk $0xff, v2  }
0x99: {  	v2 =	vld.msk [tilespmem:s7+$0x10], $0xff;
	[tilespmem:s8+$0xFFFFFFFE ss:$0x81] =	vst.msk $0xff, v5  }
0x9a: {  	v5 =	vld.msk [tilespmem:s9+$0x10], $0xff;
	[tilespmem:s11+$0xFFFFFFFE ss:$0x81] =	vst.msk $0xff, v3  }
0x9b: {  	v3 =	vld.msk [tilespmem:s10+$0x10], $0xff;
	[tilespmem:s13+$0xFFFFFFFE ss:$0x81] =	vst.msk $0xff, v4  }
0x9c: {  	v4 =	vld.msk [tilespmem:s12+$0x10], $0xff  }
0x9d: {  	[tilespmem:s25+$0xFFFFFFFF ss:$0x81] =	vst.msk $0xff, v1  }
0x9e: {  	v1 =	vld.msk [tilespmem:s5+$0x18], $0xff;
	[tilespmem:s6+$0xFFFFFFFF ss:$0x81] =	vst.msk $0xff, v2  }
0x9f: {  	v2 =	vld.msk [tilespmem:s7+$0x18], $0xff;
	[tilespmem:s8+$0xFFFFFFFF ss:$0x81] =	vst.msk $0xff, v5  }
0xa0: {  	v61 =	vld.msk [tilespmem:s9+$0x18], $0xff;
	[tilespmem:s11+$0xFFFFFFFF ss:$0x81] =	vst.msk $0xff, v3  }
0xa1: {  	s2 =	sadd.s32 $0x1, s2;
	v62 =	vld.msk [tilespmem:s10+$0x18], $0xff;
	[tilespmem:s13+$0xFFFFFFFF ss:$0x81] =	vst.msk $0xff, v4  }
0xa2: {  	[tilespmem:s0+$0x0 ss:$0x81] =	vst.msk $0xff, v0;
	p1 =	sne.s32 s2, $0x10;
	v63 =	vld.msk [tilespmem:s12+$0x18], $0xff  }
.Ltmp5:
0xa3: {  	[tilespmem:s25+$0x0 ss:$0x81] =	vst.msk $0xff, v1;
	(pc) =	sbr.rel @p1 .LBB1_5-.Ltmp5, $4  }
0xa4: {  	[tilespmem:s6+$0x0 ss:$0x81] =	vst.msk $0xff, v2  }
0xa5: {  	[tilespmem:s8+$0x0 ss:$0x81] =	vst.msk $0xff, v61  }
0xa6: {  	[tilespmem:s11+$0x0 ss:$0x81] =	vst.msk $0xff, v62  }
0xa7: {  	s14 =	sadd.s32 $0x408, s14;
	s1 =	sadd.s32 $0x400, s1;
	[tilespmem:s13+$0x0 ss:$0x81] =	vst.msk $0xff, v63  }
0xa8: {  	s0 =	sshll.u32 s29, $0x3  }
0xa9: {  	s1 =	sand.u32 $0x78, s29;
	s15 =	sshll.u32 s30, $0xC;
	s2 =	sand.u32 $0xE00, s29  }
.Ltmp6:
0xaa: {  	s5 =	rddreg [dreg:$0x1];
	s0 =	sand.u32 $0xC00, s0;
	(pc) =	sbr.rel .LBB1_9-.Ltmp6, $4  }
0xab: {  	s16 =	sand.u32 $0x7, s29;
	s0 =	sor.u32 s1, s0;
	s1 =	sadd.s32 s5, s15  }
0xac: {  	s25 =	sshll.u32 s16, $0x12;
	s0 =	sshrl.u32 s0, $0x3;
	s1 =	sadd.s32 s2, s1  }
0xad: {  	s30 =	simm.s32 $0x8000;
	s29 =	sor.u32 $0x400, s25;
	s0 =	sadd.s32 s0, s1  }
0xae: {  	[hbm4b:s0+s29] =	stream.strided.scatter [tilespmem:s31], [sflag:$0x2], $0x4000, s30, s29, $0x20;
	[tilespmem:$0x10100] =	vst v63  }
.LBB1_10:
0xaf: {  	_ =	sfence.sel $0x180000  }
0xb0: {  	s0 =	simm.s32 $0x1;
	[bflag:$0x0] =	sbarrier.arrive $0xFFFF  }
0xb1: {  	s30 =	simm.s32 $0x2;
	[sflag:s0] =	ssyncpa.u1 $0x1  }
0xb2: {  	[sflag:s30] =	ssyncpa.u1 $0x1  }
0xb3: {  	_ =	strace $0x90000047  }
0xb4: {  	s31 =	stileid.u32;
	[bflag:$0x2] =	sbarrier.arrive $0xFFFF  }
0xb5: {  	p0 =	sne.s32 s31, $0x0;
	s0 =	rddreg [dreg:$0x2]  }
0xb6: {  	s0 =	sadd.s32 @!p0 $0x100000, s0  }
0xb7: {  	[sflag:s0] =	ssyncadd.tile.s32 @!p0 $0x1;
	_ =	shalt  }
.Lfunc_end1:
_tile_overlayer_lowered:
.L_overlay_start_2:
0xb8: {  	(tag) =	ssettag $0x2  }
0xb9: {  	s0 =	rddreg [dreg:$0x0];
	s2 =	stileid.u32  }
0xba: {  	s1 =	rddreg [dreg:$0x1];
	p0 =	sne.s32 s2, $0x0  }
0xbb: {  	s3 =	rddreg [dreg:$0x2];
	[bflag:$0x3] =	sbarrier.arrive $0xFFFF;
	s2 =	simm.s32 @!p0 $0x1C01  }
0xbc: {  	[timem:s3], [sflag:s2] =	dma.local @!p0 [hbm:s0], s1  }
0xbd: {  	s0 =	simm.s32 @!p0 $0x1  }
0xbe: {  	_ =	swait.ge @!p0 [sflag:s0], s1  }
0xbf: {  	s1 =	ssub.s32 @!p0 $0x0, s1;
	[sflag:s0] =	ssyncset.done @!p0 $0x0  }
0xc0: {  	[sflag:s0] =	ssyncadd.s32 @!p0 s1  }
0xc1: {  	[bflag:$0x3] =	sbarrier.arrive $0xFFFF  }
0xc2: {  	_ =	shalt  }

</sc_bundles>
